<compile_context>
chip_gen: v7x
topology: tpu7x:2x2x1
jax: 0.10.2.dev20260603
libtpu: 0.0.44.dev20260713+nightly
codegen_flags: <defaults>
</compile_context>

<pallas_src>
import functools

import jax
import jax.numpy as jnp
from jax import lax
from jax.experimental import pallas as pl
from jax.experimental.pallas import tpu as pltpu
from jax.experimental.pallas import tpu_sc as plsc

_NUM_CORES = 2
_NUM_SUBCORES = 16
_NW = _NUM_CORES * _NUM_SUBCORES

_SB = 128
_NBUF = 8


@functools.partial(jax.jit, static_argnums=(2, 3, 4))
def _gather(idx, table, n_streams, n_buf, sb):
    n_groups = n_streams // n_buf
    _, d = table.shape
    n = _NW * n_streams * sb

    mesh = plsc.VectorSubcoreMesh(
        core_axis_name="c", subcore_axis_name="s",
        num_cores=_NUM_CORES, num_subcores=_NUM_SUBCORES)

    @functools.partial(
        pl.kernel,
        mesh=mesh,
        out_type=jax.ShapeDtypeStruct((n, d), jnp.float32),
        scratch_types=[
            pltpu.VMEM((n_streams, sb), jnp.int32),
            pltpu.VMEM((n_buf, sb, d), jnp.float32),
            pltpu.SemaphoreType.DMA((n_buf,)),
            pltpu.SemaphoreType.DMA((n_buf,)),
        ],
        compiler_params=pltpu.CompilerParams(use_tc_tiling_on_sc=False),
    )
    def run(idx_hbm, table_hbm, out_hbm, idx_v, rows_v, gsem, osem):
        wid = lax.axis_index("s") * _NUM_CORES + lax.axis_index("c")
        row_base = wid * (n_streams * sb)

        pltpu.sync_copy(idx_hbm.at[wid], idx_v)

        def fire_gather(j, b):
            pltpu.async_copy(
                table_hbm.at[idx_v.at[j]], rows_v.at[b], gsem.at[b])

        def wait_gather(b):
            pltpu.make_async_copy(
                table_hbm.at[idx_v.at[0]], rows_v.at[b], gsem.at[b]).wait()

        def fire_out(j, b):
            pltpu.async_copy(
                rows_v.at[b], out_hbm.at[pl.ds(row_base + j * sb, sb)],
                osem.at[b])

        def wait_out(b):
            pltpu.make_async_copy(
                rows_v.at[b], out_hbm.at[pl.ds(row_base, sb)],
                osem.at[b]).wait()

        for b in range(n_buf):
            fire_gather(b, b)

        @pl.loop(0, n_groups - 1)
        def _group(g):
            j0 = g * n_buf
            for b in range(n_buf):
                wait_gather(b)
                fire_out(j0 + b, b)
            for b in range(n_buf):
                wait_out(b)
                fire_gather(j0 + n_buf + b, b)

        for b in range(n_buf):
            wait_gather(b)
            fire_out((n_groups - 1) * n_buf + b, b)
        for b in range(n_buf):
            wait_out(b)

    return run(idx, table)


def kernel(inp, table):
    batch, hist = inp.shape
    _, d = table.shape
    n = batch * hist
    assert n % (_NW * _SB) == 0
    n_streams = n // (_NW * _SB)
    assert n_streams % _NBUF == 0

    idx = inp.reshape(_NW, n_streams, _SB).astype(jnp.int32)
    out = _gather(idx, table, n_streams, _NBUF, _SB)
    return out.reshape(batch, hist, d)

# --- scband reference (transcript-rebuilt; emitter-appended) ---
"""Pipeline reference for scband-adaptive-embedding-8770323218941 (READ-ONLY COPY).

The authoritative reference and input builder live on the scoring server;
editing this copy changes nothing except your own understanding.
"""

import jax, jax.numpy as jnp
import numpy as np

VOCAB = 1000000
D_EMBED = 64
BATCH = 16384
HIST = 50

def setup_inputs(seed: int = 0) -> dict:
    key = jax.random.key(seed)
    k_idx, k_tab = jax.random.split(key)
    inp = jax.random.randint(k_idx, (BATCH, HIST), 0, VOCAB, dtype=jnp.int64 if jax.config.read('jax_enable_x64') else jnp.int32)
    table = jax.random.normal(k_tab, (VOCAB, D_EMBED), dtype=jnp.float32) * 0.02
    return {"inp": inp, "table": table}

def reference(inp, table):
    # AdaptiveEmbedding with div_val=1 is a plain embedding lookup
    embed = jnp.take(table, inp, axis=0)
    return embed

if __name__ == "__main__":
    import jax
    _d = setup_inputs()
    print(jax.jit(kernel)(*tuple(_d.values())))

</pallas_src>

<mosaic_0001>
#map = affine_map<(d0, d1) -> (0, 0, 0)>
#map1 = affine_map<(d0, d1) -> (0, 0)>
module attributes {stable_mosaic.version = 14 : i64} {
  func.func @run(%arg0: i32, %arg1: i32, %arg2: memref<32x200x128xi32, #tpu.memory_space<hbm>>, %arg3: memref<1000000x64xf32, #tpu.memory_space<hbm>>, %arg4: memref<819200x64xf32, #tpu.memory_space<hbm>>, %arg5: memref<200x128xi32, #tpu.memory_space<vmem>>, %arg6: memref<8x128x64xf32, #tpu.memory_space<vmem>>, %arg7: memref<8x!tpu.dma_semaphore, #tpu.memory_space<semaphore_mem>>, %arg8: memref<8x!tpu.dma_semaphore, #tpu.memory_space<semaphore_mem>>) attributes {dimension_semantics = [#tpu.dimension_semantics<core_parallel>, #tpu.dimension_semantics<subcore_parallel>], iteration_bounds = array<i64: 2, 16>, scalar_prefetch = 0 : i64, scratch_operands = 4 : i64, tpu.core_type = #tpu.core_type<sc_vector_subcore>, window_params = [{transform_indices = #map}, {transform_indices = #map1}, {transform_indices = #map1}]} {
    %mul3A = arith.constant 2 : i32
    %mul3A_0 = arith.muli %arg1, %mul3A : i32
    %add3A = arith.addi %mul3A_0, %arg0 : i32
    %mul3A_1 = arith.constant 25600 : i32
    %mul3A_2 = arith.muli %add3A, %mul3A_1 : i32
    "tpu.region"() ({
      %run_scoped3A = tpu.sem_alloc : memref<!tpu.dma_semaphore, #tpu.memory_space<semaphore_mem>>
      %dma_start3A_517 = arith.constant 0 : i32
      %dma_start3A_518 = arith.constant 0 : i32
      %dma_start3A_519 = tpu.memref_slice %arg2[%add3A, %dma_start3A_517, %dma_start3A_518] : memref<32x200x128xi32, #tpu.memory_space<hbm>> -> memref<1x200x128xi32, #tpu.memory_space<hbm>>
      %dma_start3A_520 = tpu.memref_squeeze %dma_start3A_519 : memref<1x200x128xi32, #tpu.memory_space<hbm>> -> memref<200x128xi32, #tpu.memory_space<hbm>>
      %dma_start3A_521 = arith.constant 0 : i32
      %dma_start3A_522 = arith.constant 0 : i32
      %dma_start3A_523 = tpu.memref_slice %arg2[%add3A, %dma_start3A_521, %dma_start3A_522] : memref<32x200x128xi32, #tpu.memory_space<hbm>> -> memref<1x200x128xi32, #tpu.memory_space<hbm>>
      %dma_start3A_524 = tpu.memref_squeeze %dma_start3A_523 : memref<1x200x128xi32, #tpu.memory_space<hbm>> -> memref<200x128xi32, #tpu.memory_space<hbm>>
      tpu.enqueue_dma source(%dma_start3A_524 : memref<200x128xi32, #tpu.memory_space<hbm>>) target(%arg5 : memref<200x128xi32, #tpu.memory_space<vmem>>) target_semaphore(%run_scoped3A : memref<!tpu.dma_semaphore, #tpu.memory_space<semaphore_mem>>)
      %dma_wait3A_525 = arith.constant 0 : i32
      %dma_wait3A_526 = arith.constant 0 : i32
      %dma_wait3A_527 = tpu.memref_slice %arg2[%add3A, %dma_wait3A_525, %dma_wait3A_526] : memref<32x200x128xi32, #tpu.memory_space<hbm>> -> memref<1x200x128xi32, #tpu.memory_space<hbm>>
      %dma_wait3A_528 = tpu.memref_squeeze %dma_wait3A_527 : memref<1x200x128xi32, #tpu.memory_space<hbm>> -> memref<200x128xi32, #tpu.memory_space<hbm>>
      %dma_wait3A_529 = arith.constant 0 : i32
      %dma_wait3A_530 = arith.constant 0 : i32
      %dma_wait3A_531 = tpu.memref_slice %arg2[%add3A, %dma_wait3A_529, %dma_wait3A_530] : memref<32x200x128xi32, #tpu.memory_space<hbm>> -> memref<1x200x128xi32, #tpu.memory_space<hbm>>
      %dma_wait3A_532 = tpu.memref_squeeze %dma_wait3A_531 : memref<1x200x128xi32, #tpu.memory_space<hbm>> -> memref<200x128xi32, #tpu.memory_space<hbm>>
      tpu.wait_dma2 semaphore(%run_scoped3A : memref<!tpu.dma_semaphore, #tpu.memory_space<semaphore_mem>>) src(%dma_wait3A_532 : memref<200x128xi32, #tpu.memory_space<hbm>>) dst(%arg5 : memref<200x128xi32, #tpu.memory_space<vmem>>)
      tpu.yield
    }) : () -> ()
    %dma_start3A = arith.constant 0 : i32
    %dma_start3A_3 = arith.constant 0 : i32
    %dma_start3A_4 = arith.constant 0 : i32
    %dma_start3A_5 = arith.constant 0 : i32
    %dma_start3A_6 = arith.constant 0 : i32
    %dma_start3A_7 = tpu.memref_slice %arg6[%dma_start3A_3, %dma_start3A_5, %dma_start3A_6] : memref<8x128x64xf32, #tpu.memory_space<vmem>> -> memref<1x128x64xf32, #tpu.memory_space<vmem>>
    %dma_start3A_8 = tpu.memref_squeeze %dma_start3A_7 : memref<1x128x64xf32, #tpu.memory_space<vmem>> -> memref<128x64xf32, #tpu.memory_space<vmem>>
    %dma_start3A_9 = arith.constant 0 : i32
    %dma_start3A_10 = tpu.memref_slice %arg5[%dma_start3A, %dma_start3A_9] : memref<200x128xi32, #tpu.memory_space<vmem>> -> memref<1x128xi32, #tpu.memory_space<vmem>>
    %dma_start3A_11 = tpu.memref_squeeze %dma_start3A_10 : memref<1x128xi32, #tpu.memory_space<vmem>> -> memref<128xi32, #tpu.memory_space<vmem>>
    %dma_start3A_12 = arith.constant 0 : i32
    %dma_start3A_13 = arith.constant 0 : i32
    %dma_start3A_14 = tpu.memref_slice %arg3[%dma_start3A_12, %dma_start3A_13] : memref<1000000x64xf32, #tpu.memory_space<hbm>> -> memref<1000000x64xf32, #tpu.memory_space<hbm>>
    %dma_start3A_15 = tpu.memref_slice %arg7[%dma_start3A_4] : memref<8x!tpu.dma_semaphore, #tpu.memory_space<semaphore_mem>> -> memref<1x!tpu.dma_semaphore, #tpu.memory_space<semaphore_mem>>
    %dma_start3A_16 = tpu.memref_squeeze %dma_start3A_15 : memref<1x!tpu.dma_semaphore, #tpu.memory_space<semaphore_mem>> -> memref<!tpu.dma_semaphore, #tpu.memory_space<semaphore_mem>>
    tpu.enqueue_indirect_dma source(%dma_start3A_14 : memref<1000000x64xf32, #tpu.memory_space<hbm>>) target(%dma_start3A_8 : memref<128x64xf32, #tpu.memory_space<vmem>>) offsets(%dma_start3A_11 : memref<128xi32, #tpu.memory_space<vmem>>) semaphore(%dma_start3A_16 : memref<!tpu.dma_semaphore, #tpu.memory_space<semaphore_mem>>)
    %dma_start3A_17 = arith.constant 1 : i32
    %dma_start3A_18 = arith.constant 1 : i32
    %dma_start3A_19 = arith.constant 1 : i32
    %dma_start3A_20 = arith.constant 0 : i32
    %dma_start3A_21 = arith.constant 0 : i32
    %dma_start3A_22 = tpu.memref_slice %arg6[%dma_start3A_18, %dma_start3A_20, %dma_start3A_21] : memref<8x128x64xf32, #tpu.memory_space<vmem>> -> memref<1x128x64xf32, #tpu.memory_space<vmem>>
    %dma_start3A_23 = tpu.memref_squeeze %dma_start3A_22 : memref<1x128x64xf32, #tpu.memory_space<vmem>> -> memref<128x64xf32, #tpu.memory_space<vmem>>
    %dma_start3A_24 = arith.constant 0 : i32
    %dma_start3A_25 = tpu.memref_slice %arg5[%dma_start3A_17, %dma_start3A_24] : memref<200x128xi32, #tpu.memory_space<vmem>> -> memref<1x128xi32, #tpu.memory_space<vmem>>
    %dma_start3A_26 = tpu.memref_squeeze %dma_start3A_25 : memref<1x128xi32, #tpu.memory_space<vmem>> -> memref<128xi32, #tpu.memory_space<vmem>>
    %dma_start3A_27 = arith.constant 0 : i32
    %dma_start3A_28 = arith.constant 0 : i32
    %dma_start3A_29 = tpu.memref_slice %arg3[%dma_start3A_27, %dma_start3A_28] : memref<1000000x64xf32, #tpu.memory_space<hbm>> -> memref<1000000x64xf32, #tpu.memory_space<hbm>>
    %dma_start3A_30 = tpu.memref_slice %arg7[%dma_start3A_19] : memref<8x!tpu.dma_semaphore, #tpu.memory_space<semaphore_mem>> -> memref<1x!tpu.dma_semaphore, #tpu.memory_space<semaphore_mem>>
    %dma_start3A_31 = tpu.memref_squeeze %dma_start3A_30 : memref<1x!tpu.dma_semaphore, #tpu.memory_space<semaphore_mem>> -> memref<!tpu.dma_semaphore, #tpu.memory_space<semaphore_mem>>
    tpu.enqueue_indirect_dma source(%dma_start3A_29 : memref<1000000x64xf32, #tpu.memory_space<hbm>>) target(%dma_start3A_23 : memref<128x64xf32, #tpu.memory_space<vmem>>) offsets(%dma_start3A_26 : memref<128xi32, #tpu.memory_space<vmem>>) semaphore(%dma_start3A_31 : memref<!tpu.dma_semaphore, #tpu.memory_space<semaphore_mem>>)
    %dma_start3A_32 = arith.constant 2 : i32
    %dma_start3A_33 = arith.constant 2 : i32
    %dma_start3A_34 = arith.constant 2 : i32
    %dma_start3A_35 = arith.constant 0 : i32
    %dma_start3A_36 = arith.constant 0 : i32
    %dma_start3A_37 = tpu.memref_slice %arg6[%dma_start3A_33, %dma_start3A_35, %dma_start3A_36] : memref<8x128x64xf32, #tpu.memory_space<vmem>> -> memref<1x128x64xf32, #tpu.memory_space<vmem>>
    %dma_start3A_38 = tpu.memref_squeeze %dma_start3A_37 : memref<1x128x64xf32, #tpu.memory_space<vmem>> -> memref<128x64xf32, #tpu.memory_space<vmem>>
    %dma_start3A_39 = arith.constant 0 : i32
    %dma_start3A_40 = tpu.memref_slice %arg5[%dma_start3A_32, %dma_start3A_39] : memref<200x128xi32, #tpu.memory_space<vmem>> -> memref<1x128xi32, #tpu.memory_space<vmem>>
    %dma_start3A_41 = tpu.memref_squeeze %dma_start3A_40 : memref<1x128xi32, #tpu.memory_space<vmem>> -> memref<128xi32, #tpu.memory_space<vmem>>
    %dma_start3A_42 = arith.constant 0 : i32
    %dma_start3A_43 = arith.constant 0 : i32
    %dma_start3A_44 = tpu.memref_slice %arg3[%dma_start3A_42, %dma_start3A_43] : memref<1000000x64xf32, #tpu.memory_space<hbm>> -> memref<1000000x64xf32, #tpu.memory_space<hbm>>
    %dma_start3A_45 = tpu.memref_slice %arg7[%dma_start3A_34] : memref<8x!tpu.dma_semaphore, #tpu.memory_space<semaphore_mem>> -> memref<1x!tpu.dma_semaphore, #tpu.memory_space<semaphore_mem>>
    %dma_start3A_46 = tpu.memref_squeeze %dma_start3A_45 : memref<1x!tpu.dma_semaphore, #tpu.memory_space<semaphore_mem>> -> memref<!tpu.dma_semaphore, #tpu.memory_space<semaphore_mem>>
    tpu.enqueue_indirect_dma source(%dma_start3A_44 : memref<1000000x64xf32, #tpu.memory_space<hbm>>) target(%dma_start3A_38 : memref<128x64xf32, #tpu.memory_space<vmem>>) offsets(%dma_start3A_41 : memref<128xi32, #tpu.memory_space<vmem>>) semaphore(%dma_start3A_46 : memref<!tpu.dma_semaphore, #tpu.memory_space<semaphore_mem>>)
    %dma_start3A_47 = arith.constant 3 : i32
    %dma_start3A_48 = arith.constant 3 : i32
    %dma_start3A_49 = arith.constant 3 : i32
    %dma_start3A_50 = arith.constant 0 : i32
    %dma_start3A_51 = arith.constant 0 : i32
    %dma_start3A_52 = tpu.memref_slice %arg6[%dma_start3A_48, %dma_start3A_50, %dma_start3A_51] : memref<8x128x64xf32, #tpu.memory_space<vmem>> -> memref<1x128x64xf32, #tpu.memory_space<vmem>>
    %dma_start3A_53 = tpu.memref_squeeze %dma_start3A_52 : memref<1x128x64xf32, #tpu.memory_space<vmem>> -> memref<128x64xf32, #tpu.memory_space<vmem>>
    %dma_start3A_54 = arith.constant 0 : i32
    %dma_start3A_55 = tpu.memref_slice %arg5[%dma_start3A_47, %dma_start3A_54] : memref<200x128xi32, #tpu.memory_space<vmem>> -> memref<1x128xi32, #tpu.memory_space<vmem>>
    %dma_start3A_56 = tpu.memref_squeeze %dma_start3A_55 : memref<1x128xi32, #tpu.memory_space<vmem>> -> memref<128xi32, #tpu.memory_space<vmem>>
    %dma_start3A_57 = arith.constant 0 : i32
    %dma_start3A_58 = arith.constant 0 : i32
    %dma_start3A_59 = tpu.memref_slice %arg3[%dma_start3A_57, %dma_start3A_58] : memref<1000000x64xf32, #tpu.memory_space<hbm>> -> memref<1000000x64xf32, #tpu.memory_space<hbm>>
    %dma_start3A_60 = tpu.memref_slice %arg7[%dma_start3A_49] : memref<8x!tpu.dma_semaphore, #tpu.memory_space<semaphore_mem>> -> memref<1x!tpu.dma_semaphore, #tpu.memory_space<semaphore_mem>>
    %dma_start3A_61 = tpu.memref_squeeze %dma_start3A_60 : memref<1x!tpu.dma_semaphore, #tpu.memory_space<semaphore_mem>> -> memref<!tpu.dma_semaphore, #tpu.memory_space<semaphore_mem>>
    tpu.enqueue_indirect_dma source(%dma_start3A_59 : memref<1000000x64xf32, #tpu.memory_space<hbm>>) target(%dma_start3A_53 : memref<128x64xf32, #tpu.memory_space<vmem>>) offsets(%dma_start3A_56 : memref<128xi32, #tpu.memory_space<vmem>>) semaphore(%dma_start3A_61 : memref<!tpu.dma_semaphore, #tpu.memory_space<semaphore_mem>>)
    %dma_start3A_62 = arith.constant 4 : i32
    %dma_start3A_63 = arith.constant 4 : i32
    %dma_start3A_64 = arith.constant 4 : i32
    %dma_start3A_65 = arith.constant 0 : i32
    %dma_start3A_66 = arith.constant 0 : i32
    %dma_start3A_67 = tpu.memref_slice %arg6[%dma_start3A_63, %dma_start3A_65, %dma_start3A_66] : memref<8x128x64xf32, #tpu.memory_space<vmem>> -> memref<1x128x64xf32, #tpu.memory_space<vmem>>
    %dma_start3A_68 = tpu.memref_squeeze %dma_start3A_67 : memref<1x128x64xf32, #tpu.memory_space<vmem>> -> memref<128x64xf32, #tpu.memory_space<vmem>>
    %dma_start3A_69 = arith.constant 0 : i32
    %dma_start3A_70 = tpu.memref_slice %arg5[%dma_start3A_62, %dma_start3A_69] : memref<200x128xi32, #tpu.memory_space<vmem>> -> memref<1x128xi32, #tpu.memory_space<vmem>>
    %dma_start3A_71 = tpu.memref_squeeze %dma_start3A_70 : memref<1x128xi32, #tpu.memory_space<vmem>> -> memref<128xi32, #tpu.memory_space<vmem>>
    %dma_start3A_72 = arith.constant 0 : i32
    %dma_start3A_73 = arith.constant 0 : i32
    %dma_start3A_74 = tpu.memref_slice %arg3[%dma_start3A_72, %dma_start3A_73] : memref<1000000x64xf32, #tpu.memory_space<hbm>> -> memref<1000000x64xf32, #tpu.memory_space<hbm>>
    %dma_start3A_75 = tpu.memref_slice %arg7[%dma_start3A_64] : memref<8x!tpu.dma_semaphore, #tpu.memory_space<semaphore_mem>> -> memref<1x!tpu.dma_semaphore, #tpu.memory_space<semaphore_mem>>
    %dma_start3A_76 = tpu.memref_squeeze %dma_start3A_75 : memref<1x!tpu.dma_semaphore, #tpu.memory_space<semaphore_mem>> -> memref<!tpu.dma_semaphore, #tpu.memory_space<semaphore_mem>>
    tpu.enqueue_indirect_dma source(%dma_start3A_74 : memref<1000000x64xf32, #tpu.memory_space<hbm>>) target(%dma_start3A_68 : memref<128x64xf32, #tpu.memory_space<vmem>>) offsets(%dma_start3A_71 : memref<128xi32, #tpu.memory_space<vmem>>) semaphore(%dma_start3A_76 : memref<!tpu.dma_semaphore, #tpu.memory_space<semaphore_mem>>)
    %dma_start3A_77 = arith.constant 5 : i32
    %dma_start3A_78 = arith.constant 5 : i32
    %dma_start3A_79 = arith.constant 5 : i32
    %dma_start3A_80 = arith.constant 0 : i32
    %dma_start3A_81 = arith.constant 0 : i32
    %dma_start3A_82 = tpu.memref_slice %arg6[%dma_start3A_78, %dma_start3A_80, %dma_start3A_81] : memref<8x128x64xf32, #tpu.memory_space<vmem>> -> memref<1x128x64xf32, #tpu.memory_space<vmem>>
    %dma_start3A_83 = tpu.memref_squeeze %dma_start3A_82 : memref<1x128x64xf32, #tpu.memory_space<vmem>> -> memref<128x64xf32, #tpu.memory_space<vmem>>
    %dma_start3A_84 = arith.constant 0 : i32
    %dma_start3A_85 = tpu.memref_slice %arg5[%dma_start3A_77, %dma_start3A_84] : memref<200x128xi32, #tpu.memory_space<vmem>> -> memref<1x128xi32, #tpu.memory_space<vmem>>
    %dma_start3A_86 = tpu.memref_squeeze %dma_start3A_85 : memref<1x128xi32, #tpu.memory_space<vmem>> -> memref<128xi32, #tpu.memory_space<vmem>>
    %dma_start3A_87 = arith.constant 0 : i32
    %dma_start3A_88 = arith.constant 0 : i32
    %dma_start3A_89 = tpu.memref_slice %arg3[%dma_start3A_87, %dma_start3A_88] : memref<1000000x64xf32, #tpu.memory_space<hbm>> -> memref<1000000x64xf32, #tpu.memory_space<hbm>>
    %dma_start3A_90 = tpu.memref_slice %arg7[%dma_start3A_79] : memref<8x!tpu.dma_semaphore, #tpu.memory_space<semaphore_mem>> -> memref<1x!tpu.dma_semaphore, #tpu.memory_space<semaphore_mem>>
    %dma_start3A_91 = tpu.memref_squeeze %dma_start3A_90 : memref<1x!tpu.dma_semaphore, #tpu.memory_space<semaphore_mem>> -> memref<!tpu.dma_semaphore, #tpu.memory_space<semaphore_mem>>
    tpu.enqueue_indirect_dma source(%dma_start3A_89 : memref<1000000x64xf32, #tpu.memory_space<hbm>>) target(%dma_start3A_83 : memref<128x64xf32, #tpu.memory_space<vmem>>) offsets(%dma_start3A_86 : memref<128xi32, #tpu.memory_space<vmem>>) semaphore(%dma_start3A_91 : memref<!tpu.dma_semaphore, #tpu.memory_space<semaphore_mem>>)
    %dma_start3A_92 = arith.constant 6 : i32
    %dma_start3A_93 = arith.constant 6 : i32
    %dma_start3A_94 = arith.constant 6 : i32
    %dma_start3A_95 = arith.constant 0 : i32
    %dma_start3A_96 = arith.constant 0 : i32
    %dma_start3A_97 = tpu.memref_slice %arg6[%dma_start3A_93, %dma_start3A_95, %dma_start3A_96] : memref<8x128x64xf32, #tpu.memory_space<vmem>> -> memref<1x128x64xf32, #tpu.memory_space<vmem>>
    %dma_start3A_98 = tpu.memref_squeeze %dma_start3A_97 : memref<1x128x64xf32, #tpu.memory_space<vmem>> -> memref<128x64xf32, #tpu.memory_space<vmem>>
    %dma_start3A_99 = arith.constant 0 : i32
    %dma_start3A_100 = tpu.memref_slice %arg5[%dma_start3A_92, %dma_start3A_99] : memref<200x128xi32, #tpu.memory_space<vmem>> -> memref<1x128xi32, #tpu.memory_space<vmem>>
    %dma_start3A_101 = tpu.memref_squeeze %dma_start3A_100 : memref<1x128xi32, #tpu.memory_space<vmem>> -> memref<128xi32, #tpu.memory_space<vmem>>
    %dma_start3A_102 = arith.constant 0 : i32
    %dma_start3A_103 = arith.constant 0 : i32
    %dma_start3A_104 = tpu.memref_slice %arg3[%dma_start3A_102, %dma_start3A_103] : memref<1000000x64xf32, #tpu.memory_space<hbm>> -> memref<1000000x64xf32, #tpu.memory_space<hbm>>
    %dma_start3A_105 = tpu.memref_slice %arg7[%dma_start3A_94] : memref<8x!tpu.dma_semaphore, #tpu.memory_space<semaphore_mem>> -> memref<1x!tpu.dma_semaphore, #tpu.memory_space<semaphore_mem>>
    %dma_start3A_106 = tpu.memref_squeeze %dma_start3A_105 : memref<1x!tpu.dma_semaphore, #tpu.memory_space<semaphore_mem>> -> memref<!tpu.dma_semaphore, #tpu.memory_space<semaphore_mem>>
    tpu.enqueue_indirect_dma source(%dma_start3A_104 : memref<1000000x64xf32, #tpu.memory_space<hbm>>) target(%dma_start3A_98 : memref<128x64xf32, #tpu.memory_space<vmem>>) offsets(%dma_start3A_101 : memref<128xi32, #tpu.memory_space<vmem>>) semaphore(%dma_start3A_106 : memref<!tpu.dma_semaphore, #tpu.memory_space<semaphore_mem>>)
    %dma_start3A_107 = arith.constant 7 : i32
    %dma_start3A_108 = arith.constant 7 : i32
    %dma_start3A_109 = arith.constant 7 : i32
    %dma_start3A_110 = arith.constant 0 : i32
    %dma_start3A_111 = arith.constant 0 : i32
    %dma_start3A_112 = tpu.memref_slice %arg6[%dma_start3A_108, %dma_start3A_110, %dma_start3A_111] : memref<8x128x64xf32, #tpu.memory_space<vmem>> -> memref<1x128x64xf32, #tpu.memory_space<vmem>>
    %dma_start3A_113 = tpu.memref_squeeze %dma_start3A_112 : memref<1x128x64xf32, #tpu.memory_space<vmem>> -> memref<128x64xf32, #tpu.memory_space<vmem>>
    %dma_start3A_114 = arith.constant 0 : i32
    %dma_start3A_115 = tpu.memref_slice %arg5[%dma_start3A_107, %dma_start3A_114] : memref<200x128xi32, #tpu.memory_space<vmem>> -> memref<1x128xi32, #tpu.memory_space<vmem>>
    %dma_start3A_116 = tpu.memref_squeeze %dma_start3A_115 : memref<1x128xi32, #tpu.memory_space<vmem>> -> memref<128xi32, #tpu.memory_space<vmem>>
    %dma_start3A_117 = arith.constant 0 : i32
    %dma_start3A_118 = arith.constant 0 : i32
    %dma_start3A_119 = tpu.memref_slice %arg3[%dma_start3A_117, %dma_start3A_118] : memref<1000000x64xf32, #tpu.memory_space<hbm>> -> memref<1000000x64xf32, #tpu.memory_space<hbm>>
    %dma_start3A_120 = tpu.memref_slice %arg7[%dma_start3A_109] : memref<8x!tpu.dma_semaphore, #tpu.memory_space<semaphore_mem>> -> memref<1x!tpu.dma_semaphore, #tpu.memory_space<semaphore_mem>>
    %dma_start3A_121 = tpu.memref_squeeze %dma_start3A_120 : memref<1x!tpu.dma_semaphore, #tpu.memory_space<semaphore_mem>> -> memref<!tpu.dma_semaphore, #tpu.memory_space<semaphore_mem>>
    tpu.enqueue_indirect_dma source(%dma_start3A_119 : memref<1000000x64xf32, #tpu.memory_space<hbm>>) target(%dma_start3A_113 : memref<128x64xf32, #tpu.memory_space<vmem>>) offsets(%dma_start3A_116 : memref<128xi32, #tpu.memory_space<vmem>>) semaphore(%dma_start3A_121 : memref<!tpu.dma_semaphore, #tpu.memory_space<semaphore_mem>>)
    %scan3A = arith.constant 0 : i32
    %scan3A_122 = arith.constant 24 : i32
    %scan3A_123 = arith.addi %scan3A, %scan3A_122 : i32
    %scan3A_124 = arith.constant 1 : i32
    scf.for %scan3A_517 = %scan3A to %scan3A_123 step %scan3A_124  : i32 {
      %mul3A_518 = arith.constant 1 : i32
      %mul3A_519 = arith.muli %scan3A_517, %mul3A_518 : i32
      %add3A_520 = arith.constant 0 : i32
      %add3A_521 = arith.addi %add3A_520, %mul3A_519 : i32
      %mul3A_522 = arith.constant 8 : i32
      %mul3A_523 = arith.muli %add3A_521, %mul3A_522 : i32
      %dma_wait3A_524 = arith.constant 0 : i32
      %dma_wait3A_525 = arith.constant 0 : i32
      %dma_wait3A_526 = arith.constant 0 : i32
      %dma_wait3A_527 = arith.constant 0 : i32
      %dma_wait3A_528 = arith.constant 0 : i32
      %dma_wait3A_529 = tpu.memref_slice %arg6[%dma_wait3A_525, %dma_wait3A_527, %dma_wait3A_528] : memref<8x128x64xf32, #tpu.memory_space<vmem>> -> memref<1x128x64xf32, #tpu.memory_space<vmem>>
      %dma_wait3A_530 = tpu.memref_squeeze %dma_wait3A_529 : memref<1x128x64xf32, #tpu.memory_space<vmem>> -> memref<128x64xf32, #tpu.memory_space<vmem>>
      %dma_wait3A_531 = arith.constant 0 : i32
      %dma_wait3A_532 = tpu.memref_slice %arg5[%dma_wait3A_524, %dma_wait3A_531] : memref<200x128xi32, #tpu.memory_space<vmem>> -> memref<1x128xi32, #tpu.memory_space<vmem>>
      %dma_wait3A_533 = tpu.memref_squeeze %dma_wait3A_532 : memref<1x128xi32, #tpu.memory_space<vmem>> -> memref<128xi32, #tpu.memory_space<vmem>>
      %dma_wait3A_534 = arith.constant 0 : i32
      %dma_wait3A_535 = arith.constant 0 : i32
      %dma_wait3A_536 = tpu.memref_slice %arg3[%dma_wait3A_534, %dma_wait3A_535] : memref<1000000x64xf32, #tpu.memory_space<hbm>> -> memref<1000000x64xf32, #tpu.memory_space<hbm>>
      %dma_wait3A_537 = tpu.memref_slice %arg7[%dma_wait3A_526] : memref<8x!tpu.dma_semaphore, #tpu.memory_space<semaphore_mem>> -> memref<1x!tpu.dma_semaphore, #tpu.memory_space<semaphore_mem>>
      %dma_wait3A_538 = tpu.memref_squeeze %dma_wait3A_537 : memref<1x!tpu.dma_semaphore, #tpu.memory_space<semaphore_mem>> -> memref<!tpu.dma_semaphore, #tpu.memory_space<semaphore_mem>>
      tpu.wait_indirect_dma semaphore(%dma_wait3A_538 : memref<!tpu.dma_semaphore, #tpu.memory_space<semaphore_mem>>) src(%dma_wait3A_536 : memref<1000000x64xf32, #tpu.memory_space<hbm>>) dst(%dma_wait3A_530 : memref<128x64xf32, #tpu.memory_space<vmem>>)
      %add3A_539 = arith.constant 0 : i32
      %add3A_540 = arith.addi %mul3A_523, %add3A_539 : i32
      %mul3A_541 = arith.constant 128 : i32
      %mul3A_542 = arith.muli %add3A_540, %mul3A_541 : i32
      %add3A_543 = arith.addi %mul3A_2, %mul3A_542 : i32
      %dma_start3A_544 = arith.constant 0 : i32
      %dma_start3A_545 = arith.constant 0 : i32
      %dma_start3A_546 = arith.constant 0 : i32
      %dma_start3A_547 = arith.constant 0 : i32
      %dma_start3A_548 = tpu.memref_slice %arg6[%dma_start3A_544, %dma_start3A_546, %dma_start3A_547] : memref<8x128x64xf32, #tpu.memory_space<vmem>> -> memref<1x128x64xf32, #tpu.memory_space<vmem>>
      %dma_start3A_549 = tpu.memref_squeeze %dma_start3A_548 : memref<1x128x64xf32, #tpu.memory_space<vmem>> -> memref<128x64xf32, #tpu.memory_space<vmem>>
      %dma_start3A_550 = arith.constant 0 : i32
      %dma_start3A_551 = tpu.memref_slice %arg4[%add3A_543, %dma_start3A_550] : memref<819200x64xf32, #tpu.memory_space<hbm>> -> memref<128x64xf32, #tpu.memory_space<hbm>>
      %dma_start3A_552 = tpu.memref_slice %arg8[%dma_start3A_545] : memref<8x!tpu.dma_semaphore, #tpu.memory_space<semaphore_mem>> -> memref<1x!tpu.dma_semaphore, #tpu.memory_space<semaphore_mem>>
      %dma_start3A_553 = tpu.memref_squeeze %dma_start3A_552 : memref<1x!tpu.dma_semaphore, #tpu.memory_space<semaphore_mem>> -> memref<!tpu.dma_semaphore, #tpu.memory_space<semaphore_mem>>
      %dma_start3A_554 = arith.constant 0 : i32
      %dma_start3A_555 = tpu.memref_slice %arg4[%add3A_543, %dma_start3A_554] : memref<819200x64xf32, #tpu.memory_space<hbm>> -> memref<128x64xf32, #tpu.memory_space<hbm>>
      %dma_start3A_556 = arith.constant 0 : i32
      %dma_start3A_557 = arith.constant 0 : i32
      %dma_start3A_558 = tpu.memref_slice %arg6[%dma_start3A_544, %dma_start3A_556, %dma_start3A_557] : memref<8x128x64xf32, #tpu.memory_space<vmem>> -> memref<1x128x64xf32, #tpu.memory_space<vmem>>
      %dma_start3A_559 = tpu.memref_squeeze %dma_start3A_558 : memref<1x128x64xf32, #tpu.memory_space<vmem>> -> memref<128x64xf32, #tpu.memory_space<vmem>>
      tpu.enqueue_dma source(%dma_start3A_559 : memref<128x64xf32, #tpu.memory_space<vmem>>) target(%dma_start3A_555 : memref<128x64xf32, #tpu.memory_space<hbm>>) target_semaphore(%dma_start3A_553 : memref<!tpu.dma_semaphore, #tpu.memory_space<semaphore_mem>>)
      %dma_wait3A_560 = arith.constant 0 : i32
      %dma_wait3A_561 = arith.constant 1 : i32
      %dma_wait3A_562 = arith.constant 1 : i32
      %dma_wait3A_563 = arith.constant 0 : i32
      %dma_wait3A_564 = arith.constant 0 : i32
      %dma_wait3A_565 = tpu.memref_slice %arg6[%dma_wait3A_561, %dma_wait3A_563, %dma_wait3A_564] : memref<8x128x64xf32, #tpu.memory_space<vmem>> -> memref<1x128x64xf32, #tpu.memory_space<vmem>>
      %dma_wait3A_566 = tpu.memref_squeeze %dma_wait3A_565 : memref<1x128x64xf32, #tpu.memory_space<vmem>> -> memref<128x64xf32, #tpu.memory_space<vmem>>
      %dma_wait3A_567 = arith.constant 0 : i32
      %dma_wait3A_568 = tpu.memref_slice %arg5[%dma_wait3A_560, %dma_wait3A_567] : memref<200x128xi32, #tpu.memory_space<vmem>> -> memref<1x128xi32, #tpu.memory_space<vmem>>
      %dma_wait3A_569 = tpu.memref_squeeze %dma_wait3A_568 : memref<1x128xi32, #tpu.memory_space<vmem>> -> memref<128xi32, #tpu.memory_space<vmem>>
      %dma_wait3A_570 = arith.constant 0 : i32
      %dma_wait3A_571 = arith.constant 0 : i32
      %dma_wait3A_572 = tpu.memref_slice %arg3[%dma_wait3A_570, %dma_wait3A_571] : memref<1000000x64xf32, #tpu.memory_space<hbm>> -> memref<1000000x64xf32, #tpu.memory_space<hbm>>
      %dma_wait3A_573 = tpu.memref_slice %arg7[%dma_wait3A_562] : memref<8x!tpu.dma_semaphore, #tpu.memory_space<semaphore_mem>> -> memref<1x!tpu.dma_semaphore, #tpu.memory_space<semaphore_mem>>
      %dma_wait3A_574 = tpu.memref_squeeze %dma_wait3A_573 : memref<1x!tpu.dma_semaphore, #tpu.memory_space<semaphore_mem>> -> memref<!tpu.dma_semaphore, #tpu.memory_space<semaphore_mem>>
      tpu.wait_indirect_dma semaphore(%dma_wait3A_574 : memref<!tpu.dma_semaphore, #tpu.memory_space<semaphore_mem>>) src(%dma_wait3A_572 : memref<1000000x64xf32, #tpu.memory_space<hbm>>) dst(%dma_wait3A_566 : memref<128x64xf32, #tpu.memory_space<vmem>>)
      %add3A_575 = arith.constant 1 : i32
      %add3A_576 = arith.addi %mul3A_523, %add3A_575 : i32
      %mul3A_577 = arith.constant 128 : i32
      %mul3A_578 = arith.muli %add3A_576, %mul3A_577 : i32
      %add3A_579 = arith.addi %mul3A_2, %mul3A_578 : i32
      %dma_start3A_580 = arith.constant 1 : i32
      %dma_start3A_581 = arith.constant 1 : i32
      %dma_start3A_582 = arith.constant 0 : i32
      %dma_start3A_583 = arith.constant 0 : i32
      %dma_start3A_584 = tpu.memref_slice %arg6[%dma_start3A_580, %dma_start3A_582, %dma_start3A_583] : memref<8x128x64xf32, #tpu.memory_space<vmem>> -> memref<1x128x64xf32, #tpu.memory_space<vmem>>
      %dma_start3A_585 = tpu.memref_squeeze %dma_start3A_584 : memref<1x128x64xf32, #tpu.memory_space<vmem>> -> memref<128x64xf32, #tpu.memory_space<vmem>>
      %dma_start3A_586 = arith.constant 0 : i32
      %dma_start3A_587 = tpu.memref_slice %arg4[%add3A_579, %dma_start3A_586] : memref<819200x64xf32, #tpu.memory_space<hbm>> -> memref<128x64xf32, #tpu.memory_space<hbm>>
      %dma_start3A_588 = tpu.memref_slice %arg8[%dma_start3A_581] : memref<8x!tpu.dma_semaphore, #tpu.memory_space<semaphore_mem>> -> memref<1x!tpu.dma_semaphore, #tpu.memory_space<semaphore_mem>>
      %dma_start3A_589 = tpu.memref_squeeze %dma_start3A_588 : memref<1x!tpu.dma_semaphore, #tpu.memory_space<semaphore_mem>> -> memref<!tpu.dma_semaphore, #tpu.memory_space<semaphore_mem>>
      %dma_start3A_590 = arith.constant 0 : i32
      %dma_start3A_591 = tpu.memref_slice %arg4[%add3A_579, %dma_start3A_590] : memref<819200x64xf32, #tpu.memory_space<hbm>> -> memref<128x64xf32, #tpu.memory_space<hbm>>
      %dma_start3A_592 = arith.constant 0 : i32
      %dma_start3A_593 = arith.constant 0 : i32
      %dma_start3A_594 = tpu.memref_slice %arg6[%dma_start3A_580, %dma_start3A_592, %dma_start3A_593] : memref<8x128x64xf32, #tpu.memory_space<vmem>> -> memref<1x128x64xf32, #tpu.memory_space<vmem>>
      %dma_start3A_595 = tpu.memref_squeeze %dma_start3A_594 : memref<1x128x64xf32, #tpu.memory_space<vmem>> -> memref<128x64xf32, #tpu.memory_space<vmem>>
      tpu.enqueue_dma source(%dma_start3A_595 : memref<128x64xf32, #tpu.memory_space<vmem>>) target(%dma_start3A_591 : memref<128x64xf32, #tpu.memory_space<hbm>>) target_semaphore(%dma_start3A_589 : memref<!tpu.dma_semaphore, #tpu.memory_space<semaphore_mem>>)
      %dma_wait3A_596 = arith.constant 0 : i32
      %dma_wait3A_597 = arith.constant 2 : i32
      %dma_wait3A_598 = arith.constant 2 : i32
      %dma_wait3A_599 = arith.constant 0 : i32
      %dma_wait3A_600 = arith.constant 0 : i32
      %dma_wait3A_601 = tpu.memref_slice %arg6[%dma_wait3A_597, %dma_wait3A_599, %dma_wait3A_600] : memref<8x128x64xf32, #tpu.memory_space<vmem>> -> memref<1x128x64xf32, #tpu.memory_space<vmem>>
      %dma_wait3A_602 = tpu.memref_squeeze %dma_wait3A_601 : memref<1x128x64xf32, #tpu.memory_space<vmem>> -> memref<128x64xf32, #tpu.memory_space<vmem>>
      %dma_wait3A_603 = arith.constant 0 : i32
      %dma_wait3A_604 = tpu.memref_slice %arg5[%dma_wait3A_596, %dma_wait3A_603] : memref<200x128xi32, #tpu.memory_space<vmem>> -> memref<1x128xi32, #tpu.memory_space<vmem>>
      %dma_wait3A_605 = tpu.memref_squeeze %dma_wait3A_604 : memref<1x128xi32, #tpu.memory_space<vmem>> -> memref<128xi32, #tpu.memory_space<vmem>>
      %dma_wait3A_606 = arith.constant 0 : i32
      %dma_wait3A_607 = arith.constant 0 : i32
      %dma_wait3A_608 = tpu.memref_slice %arg3[%dma_wait3A_606, %dma_wait3A_607] : memref<1000000x64xf32, #tpu.memory_space<hbm>> -> memref<1000000x64xf32, #tpu.memory_space<hbm>>
      %dma_wait3A_609 = tpu.memref_slice %arg7[%dma_wait3A_598] : memref<8x!tpu.dma_semaphore, #tpu.memory_space<semaphore_mem>> -> memref<1x!tpu.dma_semaphore, #tpu.memory_space<semaphore_mem>>
      %dma_wait3A_610 = tpu.memref_squeeze %dma_wait3A_609 : memref<1x!tpu.dma_semaphore, #tpu.memory_space<semaphore_mem>> -> memref<!tpu.dma_semaphore, #tpu.memory_space<semaphore_mem>>
      tpu.wait_indirect_dma semaphore(%dma_wait3A_610 : memref<!tpu.dma_semaphore, #tpu.memory_space<semaphore_mem>>) src(%dma_wait3A_608 : memref<1000000x64xf32, #tpu.memory_space<hbm>>) dst(%dma_wait3A_602 : memref<128x64xf32, #tpu.memory_space<vmem>>)
      %add3A_611 = arith.constant 2 : i32
      %add3A_612 = arith.addi %mul3A_523, %add3A_611 : i32
      %mul3A_613 = arith.constant 128 : i32
      %mul3A_614 = arith.muli %add3A_612, %mul3A_613 : i32
      %add3A_615 = arith.addi %mul3A_2, %mul3A_614 : i32
      %dma_start3A_616 = arith.constant 2 : i32
      %dma_start3A_617 = arith.constant 2 : i32
      %dma_start3A_618 = arith.constant 0 : i32
      %dma_start3A_619 = arith.constant 0 : i32
      %dma_start3A_620 = tpu.memref_slice %arg6[%dma_start3A_616, %dma_start3A_618, %dma_start3A_619] : memref<8x128x64xf32, #tpu.memory_space<vmem>> -> memref<1x128x64xf32, #tpu.memory_space<vmem>>
      %dma_start3A_621 = tpu.memref_squeeze %dma_start3A_620 : memref<1x128x64xf32, #tpu.memory_space<vmem>> -> memref<128x64xf32, #tpu.memory_space<vmem>>
      %dma_start3A_622 = arith.constant 0 : i32
      %dma_start3A_623 = tpu.memref_slice %arg4[%add3A_615, %dma_start3A_622] : memref<819200x64xf32, #tpu.memory_space<hbm>> -> memref<128x64xf32, #tpu.memory_space<hbm>>
      %dma_start3A_624 = tpu.memref_slice %arg8[%dma_start3A_617] : memref<8x!tpu.dma_semaphore, #tpu.memory_space<semaphore_mem>> -> memref<1x!tpu.dma_semaphore, #tpu.memory_space<semaphore_mem>>
      %dma_start3A_625 = tpu.memref_squeeze %dma_start3A_624 : memref<1x!tpu.dma_semaphore, #tpu.memory_space<semaphore_mem>> -> memref<!tpu.dma_semaphore, #tpu.memory_space<semaphore_mem>>
      %dma_start3A_626 = arith.constant 0 : i32
      %dma_start3A_627 = tpu.memref_slice %arg4[%add3A_615, %dma_start3A_626] : memref<819200x64xf32, #tpu.memory_space<hbm>> -> memref<128x64xf32, #tpu.memory_space<hbm>>
      %dma_start3A_628 = arith.constant 0 : i32
      %dma_start3A_629 = arith.constant 0 : i32
      %dma_start3A_630 = tpu.memref_slice %arg6[%dma_start3A_616, %dma_start3A_628, %dma_start3A_629] : memref<8x128x64xf32, #tpu.memory_space<vmem>> -> memref<1x128x64xf32, #tpu.memory_space<vmem>>
      %dma_start3A_631 = tpu.memref_squeeze %dma_start3A_630 : memref<1x128x64xf32, #tpu.memory_space<vmem>> -> memref<128x64xf32, #tpu.memory_space<vmem>>
      tpu.enqueue_dma source(%dma_start3A_631 : memref<128x64xf32, #tpu.memory_space<vmem>>) target(%dma_start3A_627 : memref<128x64xf32, #tpu.memory_space<hbm>>) target_semaphore(%dma_start3A_625 : memref<!tpu.dma_semaphore, #tpu.memory_space<semaphore_mem>>)
      %dma_wait3A_632 = arith.constant 0 : i32
      %dma_wait3A_633 = arith.constant 3 : i32
      %dma_wait3A_634 = arith.constant 3 : i32
      %dma_wait3A_635 = arith.constant 0 : i32
      %dma_wait3A_636 = arith.constant 0 : i32
      %dma_wait3A_637 = tpu.memref_slice %arg6[%dma_wait3A_633, %dma_wait3A_635, %dma_wait3A_636] : memref<8x128x64xf32, #tpu.memory_space<vmem>> -> memref<1x128x64xf32, #tpu.memory_space<vmem>>
      %dma_wait3A_638 = tpu.memref_squeeze %dma_wait3A_637 : memref<1x128x64xf32, #tpu.memory_space<vmem>> -> memref<128x64xf32, #tpu.memory_space<vmem>>
      %dma_wait3A_639 = arith.constant 0 : i32
      %dma_wait3A_640 = tpu.memref_slice %arg5[%dma_wait3A_632, %dma_wait3A_639] : memref<200x128xi32, #tpu.memory_space<vmem>> -> memref<1x128xi32, #tpu.memory_space<vmem>>
      %dma_wait3A_641 = tpu.memref_squeeze %dma_wait3A_640 : memref<1x128xi32, #tpu.memory_space<vmem>> -> memref<128xi32, #tpu.memory_space<vmem>>
      %dma_wait3A_642 = arith.constant 0 : i32
      %dma_wait3A_643 = arith.constant 0 : i32
      %dma_wait3A_644 = tpu.memref_slice %arg3[%dma_wait3A_642, %dma_wait3A_643] : memref<1000000x64xf32, #tpu.memory_space<hbm>> -> memref<1000000x64xf32, #tpu.memory_space<hbm>>
      %dma_wait3A_645 = tpu.memref_slice %arg7[%dma_wait3A_634] : memref<8x!tpu.dma_semaphore, #tpu.memory_space<semaphore_mem>> -> memref<1x!tpu.dma_semaphore, #tpu.memory_space<semaphore_mem>>
      %dma_wait3A_646 = tpu.memref_squeeze %dma_wait3A_645 : memref<1x!tpu.dma_semaphore, #tpu.memory_space<semaphore_mem>> -> memref<!tpu.dma_semaphore, #tpu.memory_space<semaphore_mem>>
      tpu.wait_indirect_dma semaphore(%dma_wait3A_646 : memref<!tpu.dma_semaphore, #tpu.memory_space<semaphore_mem>>) src(%dma_wait3A_644 : memref<1000000x64xf32, #tpu.memory_space<hbm>>) dst(%dma_wait3A_638 : memref<128x64xf32, #tpu.memory_space<vmem>>)
      %add3A_647 = arith.constant 3 : i32
      %add3A_648 = arith.addi %mul3A_523, %add3A_647 : i32
      %mul3A_649 = arith.constant 128 : i32
      %mul3A_650 = arith.muli %add3A_648, %mul3A_649 : i32
      %add3A_651 = arith.addi %mul3A_2, %mul3A_650 : i32
      %dma_start3A_652 = arith.constant 3 : i32
      %dma_start3A_653 = arith.constant 3 : i32
      %dma_start3A_654 = arith.constant 0 : i32
      %dma_start3A_655 = arith.constant 0 : i32
      %dma_start3A_656 = tpu.memref_slice %arg6[%dma_start3A_652, %dma_start3A_654, %dma_start3A_655] : memref<8x128x64xf32, #tpu.memory_space<vmem>> -> memref<1x128x64xf32, #tpu.memory_space<vmem>>
      %dma_start3A_657 = tpu.memref_squeeze %dma_start3A_656 : memref<1x128x64xf32, #tpu.memory_space<vmem>> -> memref<128x64xf32, #tpu.memory_space<vmem>>
      %dma_start3A_658 = arith.constant 0 : i32
      %dma_start3A_659 = tpu.memref_slice %arg4[%add3A_651, %dma_start3A_658] : memref<819200x64xf32, #tpu.memory_space<hbm>> -> memref<128x64xf32, #tpu.memory_space<hbm>>
      %dma_start3A_660 = tpu.memref_slice %arg8[%dma_start3A_653] : memref<8x!tpu.dma_semaphore, #tpu.memory_space<semaphore_mem>> -> memref<1x!tpu.dma_semaphore, #tpu.memory_space<semaphore_mem>>
      %dma_start3A_661 = tpu.memref_squeeze %dma_start3A_660 : memref<1x!tpu.dma_semaphore, #tpu.memory_space<semaphore_mem>> -> memref<!tpu.dma_semaphore, #tpu.memory_space<semaphore_mem>>
      %dma_start3A_662 = arith.constant 0 : i32
      %dma_start3A_663 = tpu.memref_slice %arg4[%add3A_651, %dma_start3A_662] : memref<819200x64xf32, #tpu.memory_space<hbm>> -> memref<128x64xf32, #tpu.memory_space<hbm>>
      %dma_start3A_664 = arith.constant 0 : i32
      %dma_start3A_665 = arith.constant 0 : i32
      %dma_start3A_666 = tpu.memref_slice %arg6[%dma_start3A_652, %dma_start3A_664, %dma_start3A_665] : memref<8x128x64xf32, #tpu.memory_space<vmem>> -> memref<1x128x64xf32, #tpu.memory_space<vmem>>
      %dma_start3A_667 = tpu.memref_squeeze %dma_start3A_666 : memref<1x128x64xf32, #tpu.memory_space<vmem>> -> memref<128x64xf32, #tpu.memory_space<vmem>>
      tpu.enqueue_dma source(%dma_start3A_667 : memref<128x64xf32, #tpu.memory_space<vmem>>) target(%dma_start3A_663 : memref<128x64xf32, #tpu.memory_space<hbm>>) target_semaphore(%dma_start3A_661 : memref<!tpu.dma_semaphore, #tpu.memory_space<semaphore_mem>>)
      %dma_wait3A_668 = arith.constant 0 : i32
      %dma_wait3A_669 = arith.constant 4 : i32
      %dma_wait3A_670 = arith.constant 4 : i32
      %dma_wait3A_671 = arith.constant 0 : i32
      %dma_wait3A_672 = arith.constant 0 : i32
      %dma_wait3A_673 = tpu.memref_slice %arg6[%dma_wait3A_669, %dma_wait3A_671, %dma_wait3A_672] : memref<8x128x64xf32, #tpu.memory_space<vmem>> -> memref<1x128x64xf32, #tpu.memory_space<vmem>>
      %dma_wait3A_674 = tpu.memref_squeeze %dma_wait3A_673 : memref<1x128x64xf32, #tpu.memory_space<vmem>> -> memref<128x64xf32, #tpu.memory_space<vmem>>
      %dma_wait3A_675 = arith.constant 0 : i32
      %dma_wait3A_676 = tpu.memref_slice %arg5[%dma_wait3A_668, %dma_wait3A_675] : memref<200x128xi32, #tpu.memory_space<vmem>> -> memref<1x128xi32, #tpu.memory_space<vmem>>
      %dma_wait3A_677 = tpu.memref_squeeze %dma_wait3A_676 : memref<1x128xi32, #tpu.memory_space<vmem>> -> memref<128xi32, #tpu.memory_space<vmem>>
      %dma_wait3A_678 = arith.constant 0 : i32
      %dma_wait3A_679 = arith.constant 0 : i32
      %dma_wait3A_680 = tpu.memref_slice %arg3[%dma_wait3A_678, %dma_wait3A_679] : memref<1000000x64xf32, #tpu.memory_space<hbm>> -> memref<1000000x64xf32, #tpu.memory_space<hbm>>
      %dma_wait3A_681 = tpu.memref_slice %arg7[%dma_wait3A_670] : memref<8x!tpu.dma_semaphore, #tpu.memory_space<semaphore_mem>> -> memref<1x!tpu.dma_semaphore, #tpu.memory_space<semaphore_mem>>
      %dma_wait3A_682 = tpu.memref_squeeze %dma_wait3A_681 : memref<1x!tpu.dma_semaphore, #tpu.memory_space<semaphore_mem>> -> memref<!tpu.dma_semaphore, #tpu.memory_space<semaphore_mem>>
      tpu.wait_indirect_dma semaphore(%dma_wait3A_682 : memref<!tpu.dma_semaphore, #tpu.memory_space<semaphore_mem>>) src(%dma_wait3A_680 : memref<1000000x64xf32, #tpu.memory_space<hbm>>) dst(%dma_wait3A_674 : memref<128x64xf32, #tpu.memory_space<vmem>>)
      %add3A_683 = arith.constant 4 : i32
      %add3A_684 = arith.addi %mul3A_523, %add3A_683 : i32
      %mul3A_685 = arith.constant 128 : i32
      %mul3A_686 = arith.muli %add3A_684, %mul3A_685 : i32
      %add3A_687 = arith.addi %mul3A_2, %mul3A_686 : i32
      %dma_start3A_688 = arith.constant 4 : i32
      %dma_start3A_689 = arith.constant 4 : i32
      %dma_start3A_690 = arith.constant 0 : i32
      %dma_start3A_691 = arith.constant 0 : i32
      %dma_start3A_692 = tpu.memref_slice %arg6[%dma_start3A_688, %dma_start3A_690, %dma_start3A_691] : memref<8x128x64xf32, #tpu.memory_space<vmem>> -> memref<1x128x64xf32, #tpu.memory_space<vmem>>
      %dma_start3A_693 = tpu.memref_squeeze %dma_start3A_692 : memref<1x128x64xf32, #tpu.memory_space<vmem>> -> memref<128x64xf32, #tpu.memory_space<vmem>>
      %dma_start3A_694 = arith.constant 0 : i32
      %dma_start3A_695 = tpu.memref_slice %arg4[%add3A_687, %dma_start3A_694] : memref<819200x64xf32, #tpu.memory_space<hbm>> -> memref<128x64xf32, #tpu.memory_space<hbm>>
      %dma_start3A_696 = tpu.memref_slice %arg8[%dma_start3A_689] : memref<8x!tpu.dma_semaphore, #tpu.memory_space<semaphore_mem>> -> memref<1x!tpu.dma_semaphore, #tpu.memory_space<semaphore_mem>>
      %dma_start3A_697 = tpu.memref_squeeze %dma_start3A_696 : memref<1x!tpu.dma_semaphore, #tpu.memory_space<semaphore_mem>> -> memref<!tpu.dma_semaphore, #tpu.memory_space<semaphore_mem>>
      %dma_start3A_698 = arith.constant 0 : i32
      %dma_start3A_699 = tpu.memref_slice %arg4[%add3A_687, %dma_start3A_698] : memref<819200x64xf32, #tpu.memory_space<hbm>> -> memref<128x64xf32, #tpu.memory_space<hbm>>
      %dma_start3A_700 = arith.constant 0 : i32
      %dma_start3A_701 = arith.constant 0 : i32
      %dma_start3A_702 = tpu.memref_slice %arg6[%dma_start3A_688, %dma_start3A_700, %dma_start3A_701] : memref<8x128x64xf32, #tpu.memory_space<vmem>> -> memref<1x128x64xf32, #tpu.memory_space<vmem>>
      %dma_start3A_703 = tpu.memref_squeeze %dma_start3A_702 : memref<1x128x64xf32, #tpu.memory_space<vmem>> -> memref<128x64xf32, #tpu.memory_space<vmem>>
      tpu.enqueue_dma source(%dma_start3A_703 : memref<128x64xf32, #tpu.memory_space<vmem>>) target(%dma_start3A_699 : memref<128x64xf32, #tpu.memory_space<hbm>>) target_semaphore(%dma_start3A_697 : memref<!tpu.dma_semaphore, #tpu.memory_space<semaphore_mem>>)
      %dma_wait3A_704 = arith.constant 0 : i32
      %dma_wait3A_705 = arith.constant 5 : i32
      %dma_wait3A_706 = arith.constant 5 : i32
      %dma_wait3A_707 = arith.constant 0 : i32
      %dma_wait3A_708 = arith.constant 0 : i32
      %dma_wait3A_709 = tpu.memref_slice %arg6[%dma_wait3A_705, %dma_wait3A_707, %dma_wait3A_708] : memref<8x128x64xf32, #tpu.memory_space<vmem>> -> memref<1x128x64xf32, #tpu.memory_space<vmem>>
      %dma_wait3A_710 = tpu.memref_squeeze %dma_wait3A_709 : memref<1x128x64xf32, #tpu.memory_space<vmem>> -> memref<128x64xf32, #tpu.memory_space<vmem>>
      %dma_wait3A_711 = arith.constant 0 : i32
      %dma_wait3A_712 = tpu.memref_slice %arg5[%dma_wait3A_704, %dma_wait3A_711] : memref<200x128xi32, #tpu.memory_space<vmem>> -> memref<1x128xi32, #tpu.memory_space<vmem>>
      %dma_wait3A_713 = tpu.memref_squeeze %dma_wait3A_712 : memref<1x128xi32, #tpu.memory_space<vmem>> -> memref<128xi32, #tpu.memory_space<vmem>>
      %dma_wait3A_714 = arith.constant 0 : i32
      %dma_wait3A_715 = arith.constant 0 : i32
      %dma_wait3A_716 = tpu.memref_slice %arg3[%dma_wait3A_714, %dma_wait3A_715] : memref<1000000x64xf32, #tpu.memory_space<hbm>> -> memref<1000000x64xf32, #tpu.memory_space<hbm>>
      %dma_wait3A_717 = tpu.memref_slice %arg7[%dma_wait3A_706] : memref<8x!tpu.dma_semaphore, #tpu.memory_space<semaphore_mem>> -> memref<1x!tpu.dma_semaphore, #tpu.memory_space<semaphore_mem>>
      %dma_wait3A_718 = tpu.memref_squeeze %dma_wait3A_717 : memref<1x!tpu.dma_semaphore, #tpu.memory_space<semaphore_mem>> -> memref<!tpu.dma_semaphore, #tpu.memory_space<semaphore_mem>>
      tpu.wait_indirect_dma semaphore(%dma_wait3A_718 : memref<!tpu.dma_semaphore, #tpu.memory_space<semaphore_mem>>) src(%dma_wait3A_716 : memref<1000000x64xf32, #tpu.memory_space<hbm>>) dst(%dma_wait3A_710 : memref<128x64xf32, #tpu.memory_space<vmem>>)
      %add3A_719 = arith.constant 5 : i32
      %add3A_720 = arith.addi %mul3A_523, %add3A_719 : i32
      %mul3A_721 = arith.constant 128 : i32
      %mul3A_722 = arith.muli %add3A_720, %mul3A_721 : i32
      %add3A_723 = arith.addi %mul3A_2, %mul3A_722 : i32
      %dma_start3A_724 = arith.constant 5 : i32
      %dma_start3A_725 = arith.constant 5 : i32
      %dma_start3A_726 = arith.constant 0 : i32
      %dma_start3A_727 = arith.constant 0 : i32
      %dma_start3A_728 = tpu.memref_slice %arg6[%dma_start3A_724, %dma_start3A_726, %dma_start3A_727] : memref<8x128x64xf32, #tpu.memory_space<vmem>> -> memref<1x128x64xf32, #tpu.memory_space<vmem>>
      %dma_start3A_729 = tpu.memref_squeeze %dma_start3A_728 : memref<1x128x64xf32, #tpu.memory_space<vmem>> -> memref<128x64xf32, #tpu.memory_space<vmem>>
      %dma_start3A_730 = arith.constant 0 : i32
      %dma_start3A_731 = tpu.memref_slice %arg4[%add3A_723, %dma_start3A_730] : memref<819200x64xf32, #tpu.memory_space<hbm>> -> memref<128x64xf32, #tpu.memory_space<hbm>>
      %dma_start3A_732 = tpu.memref_slice %arg8[%dma_start3A_725] : memref<8x!tpu.dma_semaphore, #tpu.memory_space<semaphore_mem>> -> memref<1x!tpu.dma_semaphore, #tpu.memory_space<semaphore_mem>>
      %dma_start3A_733 = tpu.memref_squeeze %dma_start3A_732 : memref<1x!tpu.dma_semaphore, #tpu.memory_space<semaphore_mem>> -> memref<!tpu.dma_semaphore, #tpu.memory_space<semaphore_mem>>
      %dma_start3A_734 = arith.constant 0 : i32
      %dma_start3A_735 = tpu.memref_slice %arg4[%add3A_723, %dma_start3A_734] : memref<819200x64xf32, #tpu.memory_space<hbm>> -> memref<128x64xf32, #tpu.memory_space<hbm>>
      %dma_start3A_736 = arith.constant 0 : i32
      %dma_start3A_737 = arith.constant 0 : i32
      %dma_start3A_738 = tpu.memref_slice %arg6[%dma_start3A_724, %dma_start3A_736, %dma_start3A_737] : memref<8x128x64xf32, #tpu.memory_space<vmem>> -> memref<1x128x64xf32, #tpu.memory_space<vmem>>
      %dma_start3A_739 = tpu.memref_squeeze %dma_start3A_738 : memref<1x128x64xf32, #tpu.memory_space<vmem>> -> memref<128x64xf32, #tpu.memory_space<vmem>>
      tpu.enqueue_dma source(%dma_start3A_739 : memref<128x64xf32, #tpu.memory_space<vmem>>) target(%dma_start3A_735 : memref<128x64xf32, #tpu.memory_space<hbm>>) target_semaphore(%dma_start3A_733 : memref<!tpu.dma_semaphore, #tpu.memory_space<semaphore_mem>>)
      %dma_wait3A_740 = arith.constant 0 : i32
      %dma_wait3A_741 = arith.constant 6 : i32
      %dma_wait3A_742 = arith.constant 6 : i32
      %dma_wait3A_743 = arith.constant 0 : i32
      %dma_wait3A_744 = arith.constant 0 : i32
      %dma_wait3A_745 = tpu.memref_slice %arg6[%dma_wait3A_741, %dma_wait3A_743, %dma_wait3A_744] : memref<8x128x64xf32, #tpu.memory_space<vmem>> -> memref<1x128x64xf32, #tpu.memory_space<vmem>>
      %dma_wait3A_746 = tpu.memref_squeeze %dma_wait3A_745 : memref<1x128x64xf32, #tpu.memory_space<vmem>> -> memref<128x64xf32, #tpu.memory_space<vmem>>
      %dma_wait3A_747 = arith.constant 0 : i32
      %dma_wait3A_748 = tpu.memref_slice %arg5[%dma_wait3A_740, %dma_wait3A_747] : memref<200x128xi32, #tpu.memory_space<vmem>> -> memref<1x128xi32, #tpu.memory_space<vmem>>
      %dma_wait3A_749 = tpu.memref_squeeze %dma_wait3A_748 : memref<1x128xi32, #tpu.memory_space<vmem>> -> memref<128xi32, #tpu.memory_space<vmem>>
      %dma_wait3A_750 = arith.constant 0 : i32
      %dma_wait3A_751 = arith.constant 0 : i32
      %dma_wait3A_752 = tpu.memref_slice %arg3[%dma_wait3A_750, %dma_wait3A_751] : memref<1000000x64xf32, #tpu.memory_space<hbm>> -> memref<1000000x64xf32, #tpu.memory_space<hbm>>
      %dma_wait3A_753 = tpu.memref_slice %arg7[%dma_wait3A_742] : memref<8x!tpu.dma_semaphore, #tpu.memory_space<semaphore_mem>> -> memref<1x!tpu.dma_semaphore, #tpu.memory_space<semaphore_mem>>
      %dma_wait3A_754 = tpu.memref_squeeze %dma_wait3A_753 : memref<1x!tpu.dma_semaphore, #tpu.memory_space<semaphore_mem>> -> memref<!tpu.dma_semaphore, #tpu.memory_space<semaphore_mem>>
      tpu.wait_indirect_dma semaphore(%dma_wait3A_754 : memref<!tpu.dma_semaphore, #tpu.memory_space<semaphore_mem>>) src(%dma_wait3A_752 : memref<1000000x64xf32, #tpu.memory_space<hbm>>) dst(%dma_wait3A_746 : memref<128x64xf32, #tpu.memory_space<vmem>>)
      %add3A_755 = arith.constant 6 : i32
      %add3A_756 = arith.addi %mul3A_523, %add3A_755 : i32
      %mul3A_757 = arith.constant 128 : i32
      %mul3A_758 = arith.muli %add3A_756, %mul3A_757 : i32
      %add3A_759 = arith.addi %mul3A_2, %mul3A_758 : i32
      %dma_start3A_760 = arith.constant 6 : i32
      %dma_start3A_761 = arith.constant 6 : i32
      %dma_start3A_762 = arith.constant 0 : i32
      %dma_start3A_763 = arith.constant 0 : i32
      %dma_start3A_764 = tpu.memref_slice %arg6[%dma_start3A_760, %dma_start3A_762, %dma_start3A_763] : memref<8x128x64xf32, #tpu.memory_space<vmem>> -> memref<1x128x64xf32, #tpu.memory_space<vmem>>
      %dma_start3A_765 = tpu.memref_squeeze %dma_start3A_764 : memref<1x128x64xf32, #tpu.memory_space<vmem>> -> memref<128x64xf32, #tpu.memory_space<vmem>>
      %dma_start3A_766 = arith.constant 0 : i32
      %dma_start3A_767 = tpu.memref_slice %arg4[%add3A_759, %dma_start3A_766] : memref<819200x64xf32, #tpu.memory_space<hbm>> -> memref<128x64xf32, #tpu.memory_space<hbm>>
      %dma_start3A_768 = tpu.memref_slice %arg8[%dma_start3A_761] : memref<8x!tpu.dma_semaphore, #tpu.memory_space<semaphore_mem>> -> memref<1x!tpu.dma_semaphore, #tpu.memory_space<semaphore_mem>>
      %dma_start3A_769 = tpu.memref_squeeze %dma_start3A_768 : memref<1x!tpu.dma_semaphore, #tpu.memory_space<semaphore_mem>> -> memref<!tpu.dma_semaphore, #tpu.memory_space<semaphore_mem>>
      %dma_start3A_770 = arith.constant 0 : i32
      %dma_start3A_771 = tpu.memref_slice %arg4[%add3A_759, %dma_start3A_770] : memref<819200x64xf32, #tpu.memory_space<hbm>> -> memref<128x64xf32, #tpu.memory_space<hbm>>
      %dma_start3A_772 = arith.constant 0 : i32
      %dma_start3A_773 = arith.constant 0 : i32
      %dma_start3A_774 = tpu.memref_slice %arg6[%dma_start3A_760, %dma_start3A_772, %dma_start3A_773] : memref<8x128x64xf32, #tpu.memory_space<vmem>> -> memref<1x128x64xf32, #tpu.memory_space<vmem>>
      %dma_start3A_775 = tpu.memref_squeeze %dma_start3A_774 : memref<1x128x64xf32, #tpu.memory_space<vmem>> -> memref<128x64xf32, #tpu.memory_space<vmem>>
      tpu.enqueue_dma source(%dma_start3A_775 : memref<128x64xf32, #tpu.memory_space<vmem>>) target(%dma_start3A_771 : memref<128x64xf32, #tpu.memory_space<hbm>>) target_semaphore(%dma_start3A_769 : memref<!tpu.dma_semaphore, #tpu.memory_space<semaphore_mem>>)
      %dma_wait3A_776 = arith.constant 0 : i32
      %dma_wait3A_777 = arith.constant 7 : i32
      %dma_wait3A_778 = arith.constant 7 : i32
      %dma_wait3A_779 = arith.constant 0 : i32
      %dma_wait3A_780 = arith.constant 0 : i32
      %dma_wait3A_781 = tpu.memref_slice %arg6[%dma_wait3A_777, %dma_wait3A_779, %dma_wait3A_780] : memref<8x128x64xf32, #tpu.memory_space<vmem>> -> memref<1x128x64xf32, #tpu.memory_space<vmem>>
      %dma_wait3A_782 = tpu.memref_squeeze %dma_wait3A_781 : memref<1x128x64xf32, #tpu.memory_space<vmem>> -> memref<128x64xf32, #tpu.memory_space<vmem>>
      %dma_wait3A_783 = arith.constant 0 : i32
      %dma_wait3A_784 = tpu.memref_slice %arg5[%dma_wait3A_776, %dma_wait3A_783] : memref<200x128xi32, #tpu.memory_space<vmem>> -> memref<1x128xi32, #tpu.memory_space<vmem>>
      %dma_wait3A_785 = tpu.memref_squeeze %dma_wait3A_784 : memref<1x128xi32, #tpu.memory_space<vmem>> -> memref<128xi32, #tpu.memory_space<vmem>>
      %dma_wait3A_786 = arith.constant 0 : i32
      %dma_wait3A_787 = arith.constant 0 : i32
      %dma_wait3A_788 = tpu.memref_slice %arg3[%dma_wait3A_786, %dma_wait3A_787] : memref<1000000x64xf32, #tpu.memory_space<hbm>> -> memref<1000000x64xf32, #tpu.memory_space<hbm>>
      %dma_wait3A_789 = tpu.memref_slice %arg7[%dma_wait3A_778] : memref<8x!tpu.dma_semaphore, #tpu.memory_space<semaphore_mem>> -> memref<1x!tpu.dma_semaphore, #tpu.memory_space<semaphore_mem>>
      %dma_wait3A_790 = tpu.memref_squeeze %dma_wait3A_789 : memref<1x!tpu.dma_semaphore, #tpu.memory_space<semaphore_mem>> -> memref<!tpu.dma_semaphore, #tpu.memory_space<semaphore_mem>>
      tpu.wait_indirect_dma semaphore(%dma_wait3A_790 : memref<!tpu.dma_semaphore, #tpu.memory_space<semaphore_mem>>) src(%dma_wait3A_788 : memref<1000000x64xf32, #tpu.memory_space<hbm>>) dst(%dma_wait3A_782 : memref<128x64xf32, #tpu.memory_space<vmem>>)
      %add3A_791 = arith.constant 7 : i32
      %add3A_792 = arith.addi %mul3A_523, %add3A_791 : i32
      %mul3A_793 = arith.constant 128 : i32
      %mul3A_794 = arith.muli %add3A_792, %mul3A_793 : i32
      %add3A_795 = arith.addi %mul3A_2, %mul3A_794 : i32
      %dma_start3A_796 = arith.constant 7 : i32
      %dma_start3A_797 = arith.constant 7 : i32
      %dma_start3A_798 = arith.constant 0 : i32
      %dma_start3A_799 = arith.constant 0 : i32
      %dma_start3A_800 = tpu.memref_slice %arg6[%dma_start3A_796, %dma_start3A_798, %dma_start3A_799] : memref<8x128x64xf32, #tpu.memory_space<vmem>> -> memref<1x128x64xf32, #tpu.memory_space<vmem>>
      %dma_start3A_801 = tpu.memref_squeeze %dma_start3A_800 : memref<1x128x64xf32, #tpu.memory_space<vmem>> -> memref<128x64xf32, #tpu.memory_space<vmem>>
      %dma_start3A_802 = arith.constant 0 : i32
      %dma_start3A_803 = tpu.memref_slice %arg4[%add3A_795, %dma_start3A_802] : memref<819200x64xf32, #tpu.memory_space<hbm>> -> memref<128x64xf32, #tpu.memory_space<hbm>>
      %dma_start3A_804 = tpu.memref_slice %arg8[%dma_start3A_797] : memref<8x!tpu.dma_semaphore, #tpu.memory_space<semaphore_mem>> -> memref<1x!tpu.dma_semaphore, #tpu.memory_space<semaphore_mem>>
      %dma_start3A_805 = tpu.memref_squeeze %dma_start3A_804 : memref<1x!tpu.dma_semaphore, #tpu.memory_space<semaphore_mem>> -> memref<!tpu.dma_semaphore, #tpu.memory_space<semaphore_mem>>
      %dma_start3A_806 = arith.constant 0 : i32
      %dma_start3A_807 = tpu.memref_slice %arg4[%add3A_795, %dma_start3A_806] : memref<819200x64xf32, #tpu.memory_space<hbm>> -> memref<128x64xf32, #tpu.memory_space<hbm>>
      %dma_start3A_808 = arith.constant 0 : i32
      %dma_start3A_809 = arith.constant 0 : i32
      %dma_start3A_810 = tpu.memref_slice %arg6[%dma_start3A_796, %dma_start3A_808, %dma_start3A_809] : memref<8x128x64xf32, #tpu.memory_space<vmem>> -> memref<1x128x64xf32, #tpu.memory_space<vmem>>
      %dma_start3A_811 = tpu.memref_squeeze %dma_start3A_810 : memref<1x128x64xf32, #tpu.memory_space<vmem>> -> memref<128x64xf32, #tpu.memory_space<vmem>>
      tpu.enqueue_dma source(%dma_start3A_811 : memref<128x64xf32, #tpu.memory_space<vmem>>) target(%dma_start3A_807 : memref<128x64xf32, #tpu.memory_space<hbm>>) target_semaphore(%dma_start3A_805 : memref<!tpu.dma_semaphore, #tpu.memory_space<semaphore_mem>>)
      %dma_wait3A_812 = arith.constant 0 : i32
      %dma_wait3A_813 = arith.constant 0 : i32
      %dma_wait3A_814 = arith.constant 0 : i32
      %dma_wait3A_815 = arith.constant 0 : i32
      %dma_wait3A_816 = tpu.memref_slice %arg6[%dma_wait3A_812, %dma_wait3A_814, %dma_wait3A_815] : memref<8x128x64xf32, #tpu.memory_space<vmem>> -> memref<1x128x64xf32, #tpu.memory_space<vmem>>
      %dma_wait3A_817 = tpu.memref_squeeze %dma_wait3A_816 : memref<1x128x64xf32, #tpu.memory_space<vmem>> -> memref<128x64xf32, #tpu.memory_space<vmem>>
      %dma_wait3A_818 = arith.constant 0 : i32
      %dma_wait3A_819 = tpu.memref_slice %arg4[%mul3A_2, %dma_wait3A_818] : memref<819200x64xf32, #tpu.memory_space<hbm>> -> memref<128x64xf32, #tpu.memory_space<hbm>>
      %dma_wait3A_820 = tpu.memref_slice %arg8[%dma_wait3A_813] : memref<8x!tpu.dma_semaphore, #tpu.memory_space<semaphore_mem>> -> memref<1x!tpu.dma_semaphore, #tpu.memory_space<semaphore_mem>>
      %dma_wait3A_821 = tpu.memref_squeeze %dma_wait3A_820 : memref<1x!tpu.dma_semaphore, #tpu.memory_space<semaphore_mem>> -> memref<!tpu.dma_semaphore, #tpu.memory_space<semaphore_mem>>
      %dma_wait3A_822 = arith.constant 0 : i32
      %dma_wait3A_823 = tpu.memref_slice %arg4[%mul3A_2, %dma_wait3A_822] : memref<819200x64xf32, #tpu.memory_space<hbm>> -> memref<128x64xf32, #tpu.memory_space<hbm>>
      %dma_wait3A_824 = arith.constant 0 : i32
      %dma_wait3A_825 = arith.constant 0 : i32
      %dma_wait3A_826 = tpu.memref_slice %arg6[%dma_wait3A_812, %dma_wait3A_824, %dma_wait3A_825] : memref<8x128x64xf32, #tpu.memory_space<vmem>> -> memref<1x128x64xf32, #tpu.memory_space<vmem>>
      %dma_wait3A_827 = tpu.memref_squeeze %dma_wait3A_826 : memref<1x128x64xf32, #tpu.memory_space<vmem>> -> memref<128x64xf32, #tpu.memory_space<vmem>>
      tpu.wait_dma2 semaphore(%dma_wait3A_821 : memref<!tpu.dma_semaphore, #tpu.memory_space<semaphore_mem>>) src(%dma_wait3A_827 : memref<128x64xf32, #tpu.memory_space<vmem>>) dst(%dma_wait3A_823 : memref<128x64xf32, #tpu.memory_space<hbm>>)
      %add3A_828 = arith.constant 8 : i32
      %add3A_829 = arith.addi %mul3A_523, %add3A_828 : i32
      %add3A_830 = arith.constant 0 : i32
      %add3A_831 = arith.addi %add3A_829, %add3A_830 : i32
      %dma_start3A_832 = arith.constant 0 : i32
      %dma_start3A_833 = arith.constant 0 : i32
      %dma_start3A_834 = arith.constant 0 : i32
      %dma_start3A_835 = arith.constant 0 : i32
      %dma_start3A_836 = tpu.memref_slice %arg6[%dma_start3A_832, %dma_start3A_834, %dma_start3A_835] : memref<8x128x64xf32, #tpu.memory_space<vmem>> -> memref<1x128x64xf32, #tpu.memory_space<vmem>>
      %dma_start3A_837 = tpu.memref_squeeze %dma_start3A_836 : memref<1x128x64xf32, #tpu.memory_space<vmem>> -> memref<128x64xf32, #tpu.memory_space<vmem>>
      %dma_start3A_838 = arith.constant 0 : i32
      %dma_start3A_839 = tpu.memref_slice %arg5[%add3A_831, %dma_start3A_838] : memref<200x128xi32, #tpu.memory_space<vmem>> -> memref<1x128xi32, #tpu.memory_space<vmem>>
      %dma_start3A_840 = tpu.memref_squeeze %dma_start3A_839 : memref<1x128xi32, #tpu.memory_space<vmem>> -> memref<128xi32, #tpu.memory_space<vmem>>
      %dma_start3A_841 = arith.constant 0 : i32
      %dma_start3A_842 = arith.constant 0 : i32
      %dma_start3A_843 = tpu.memref_slice %arg3[%dma_start3A_841, %dma_start3A_842] : memref<1000000x64xf32, #tpu.memory_space<hbm>> -> memref<1000000x64xf32, #tpu.memory_space<hbm>>
      %dma_start3A_844 = tpu.memref_slice %arg7[%dma_start3A_833] : memref<8x!tpu.dma_semaphore, #tpu.memory_space<semaphore_mem>> -> memref<1x!tpu.dma_semaphore, #tpu.memory_space<semaphore_mem>>
      %dma_start3A_845 = tpu.memref_squeeze %dma_start3A_844 : memref<1x!tpu.dma_semaphore, #tpu.memory_space<semaphore_mem>> -> memref<!tpu.dma_semaphore, #tpu.memory_space<semaphore_mem>>
      tpu.enqueue_indirect_dma source(%dma_start3A_843 : memref<1000000x64xf32, #tpu.memory_space<hbm>>) target(%dma_start3A_837 : memref<128x64xf32, #tpu.memory_space<vmem>>) offsets(%dma_start3A_840 : memref<128xi32, #tpu.memory_space<vmem>>) semaphore(%dma_start3A_845 : memref<!tpu.dma_semaphore, #tpu.memory_space<semaphore_mem>>)
      %dma_wait3A_846 = arith.constant 1 : i32
      %dma_wait3A_847 = arith.constant 1 : i32
      %dma_wait3A_848 = arith.constant 0 : i32
      %dma_wait3A_849 = arith.constant 0 : i32
      %dma_wait3A_850 = tpu.memref_slice %arg6[%dma_wait3A_846, %dma_wait3A_848, %dma_wait3A_849] : memref<8x128x64xf32, #tpu.memory_space<vmem>> -> memref<1x128x64xf32, #tpu.memory_space<vmem>>
      %dma_wait3A_851 = tpu.memref_squeeze %dma_wait3A_850 : memref<1x128x64xf32, #tpu.memory_space<vmem>> -> memref<128x64xf32, #tpu.memory_space<vmem>>
      %dma_wait3A_852 = arith.constant 0 : i32
      %dma_wait3A_853 = tpu.memref_slice %arg4[%mul3A_2, %dma_wait3A_852] : memref<819200x64xf32, #tpu.memory_space<hbm>> -> memref<128x64xf32, #tpu.memory_space<hbm>>
      %dma_wait3A_854 = tpu.memref_slice %arg8[%dma_wait3A_847] : memref<8x!tpu.dma_semaphore, #tpu.memory_space<semaphore_mem>> -> memref<1x!tpu.dma_semaphore, #tpu.memory_space<semaphore_mem>>
      %dma_wait3A_855 = tpu.memref_squeeze %dma_wait3A_854 : memref<1x!tpu.dma_semaphore, #tpu.memory_space<semaphore_mem>> -> memref<!tpu.dma_semaphore, #tpu.memory_space<semaphore_mem>>
      %dma_wait3A_856 = arith.constant 0 : i32
      %dma_wait3A_857 = tpu.memref_slice %arg4[%mul3A_2, %dma_wait3A_856] : memref<819200x64xf32, #tpu.memory_space<hbm>> -> memref<128x64xf32, #tpu.memory_space<hbm>>
      %dma_wait3A_858 = arith.constant 0 : i32
      %dma_wait3A_859 = arith.constant 0 : i32
      %dma_wait3A_860 = tpu.memref_slice %arg6[%dma_wait3A_846, %dma_wait3A_858, %dma_wait3A_859] : memref<8x128x64xf32, #tpu.memory_space<vmem>> -> memref<1x128x64xf32, #tpu.memory_space<vmem>>
      %dma_wait3A_861 = tpu.memref_squeeze %dma_wait3A_860 : memref<1x128x64xf32, #tpu.memory_space<vmem>> -> memref<128x64xf32, #tpu.memory_space<vmem>>
      tpu.wait_dma2 semaphore(%dma_wait3A_855 : memref<!tpu.dma_semaphore, #tpu.memory_space<semaphore_mem>>) src(%dma_wait3A_861 : memref<128x64xf32, #tpu.memory_space<vmem>>) dst(%dma_wait3A_857 : memref<128x64xf32, #tpu.memory_space<hbm>>)
      %add3A_862 = arith.constant 8 : i32
      %add3A_863 = arith.addi %mul3A_523, %add3A_862 : i32
      %add3A_864 = arith.constant 1 : i32
      %add3A_865 = arith.addi %add3A_863, %add3A_864 : i32
      %dma_start3A_866 = arith.constant 1 : i32
      %dma_start3A_867 = arith.constant 1 : i32
      %dma_start3A_868 = arith.constant 0 : i32
      %dma_start3A_869 = arith.constant 0 : i32
      %dma_start3A_870 = tpu.memref_slice %arg6[%dma_start3A_866, %dma_start3A_868, %dma_start3A_869] : memref<8x128x64xf32, #tpu.memory_space<vmem>> -> memref<1x128x64xf32, #tpu.memory_space<vmem>>
      %dma_start3A_871 = tpu.memref_squeeze %dma_start3A_870 : memref<1x128x64xf32, #tpu.memory_space<vmem>> -> memref<128x64xf32, #tpu.memory_space<vmem>>
      %dma_start3A_872 = arith.constant 0 : i32
      %dma_start3A_873 = tpu.memref_slice %arg5[%add3A_865, %dma_start3A_872] : memref<200x128xi32, #tpu.memory_space<vmem>> -> memref<1x128xi32, #tpu.memory_space<vmem>>
      %dma_start3A_874 = tpu.memref_squeeze %dma_start3A_873 : memref<1x128xi32, #tpu.memory_space<vmem>> -> memref<128xi32, #tpu.memory_space<vmem>>
      %dma_start3A_875 = arith.constant 0 : i32
      %dma_start3A_876 = arith.constant 0 : i32
      %dma_start3A_877 = tpu.memref_slice %arg3[%dma_start3A_875, %dma_start3A_876] : memref<1000000x64xf32, #tpu.memory_space<hbm>> -> memref<1000000x64xf32, #tpu.memory_space<hbm>>
      %dma_start3A_878 = tpu.memref_slice %arg7[%dma_start3A_867] : memref<8x!tpu.dma_semaphore, #tpu.memory_space<semaphore_mem>> -> memref<1x!tpu.dma_semaphore, #tpu.memory_space<semaphore_mem>>
      %dma_start3A_879 = tpu.memref_squeeze %dma_start3A_878 : memref<1x!tpu.dma_semaphore, #tpu.memory_space<semaphore_mem>> -> memref<!tpu.dma_semaphore, #tpu.memory_space<semaphore_mem>>
      tpu.enqueue_indirect_dma source(%dma_start3A_877 : memref<1000000x64xf32, #tpu.memory_space<hbm>>) target(%dma_start3A_871 : memref<128x64xf32, #tpu.memory_space<vmem>>) offsets(%dma_start3A_874 : memref<128xi32, #tpu.memory_space<vmem>>) semaphore(%dma_start3A_879 : memref<!tpu.dma_semaphore, #tpu.memory_space<semaphore_mem>>)
      %dma_wait3A_880 = arith.constant 2 : i32
      %dma_wait3A_881 = arith.constant 2 : i32
      %dma_wait3A_882 = arith.constant 0 : i32
      %dma_wait3A_883 = arith.constant 0 : i32
      %dma_wait3A_884 = tpu.memref_slice %arg6[%dma_wait3A_880, %dma_wait3A_882, %dma_wait3A_883] : memref<8x128x64xf32, #tpu.memory_space<vmem>> -> memref<1x128x64xf32, #tpu.memory_space<vmem>>
      %dma_wait3A_885 = tpu.memref_squeeze %dma_wait3A_884 : memref<1x128x64xf32, #tpu.memory_space<vmem>> -> memref<128x64xf32, #tpu.memory_space<vmem>>
      %dma_wait3A_886 = arith.constant 0 : i32
      %dma_wait3A_887 = tpu.memref_slice %arg4[%mul3A_2, %dma_wait3A_886] : memref<819200x64xf32, #tpu.memory_space<hbm>> -> memref<128x64xf32, #tpu.memory_space<hbm>>
      %dma_wait3A_888 = tpu.memref_slice %arg8[%dma_wait3A_881] : memref<8x!tpu.dma_semaphore, #tpu.memory_space<semaphore_mem>> -> memref<1x!tpu.dma_semaphore, #tpu.memory_space<semaphore_mem>>
      %dma_wait3A_889 = tpu.memref_squeeze %dma_wait3A_888 : memref<1x!tpu.dma_semaphore, #tpu.memory_space<semaphore_mem>> -> memref<!tpu.dma_semaphore, #tpu.memory_space<semaphore_mem>>
      %dma_wait3A_890 = arith.constant 0 : i32
      %dma_wait3A_891 = tpu.memref_slice %arg4[%mul3A_2, %dma_wait3A_890] : memref<819200x64xf32, #tpu.memory_space<hbm>> -> memref<128x64xf32, #tpu.memory_space<hbm>>
      %dma_wait3A_892 = arith.constant 0 : i32
      %dma_wait3A_893 = arith.constant 0 : i32
      %dma_wait3A_894 = tpu.memref_slice %arg6[%dma_wait3A_880, %dma_wait3A_892, %dma_wait3A_893] : memref<8x128x64xf32, #tpu.memory_space<vmem>> -> memref<1x128x64xf32, #tpu.memory_space<vmem>>
      %dma_wait3A_895 = tpu.memref_squeeze %dma_wait3A_894 : memref<1x128x64xf32, #tpu.memory_space<vmem>> -> memref<128x64xf32, #tpu.memory_space<vmem>>
      tpu.wait_dma2 semaphore(%dma_wait3A_889 : memref<!tpu.dma_semaphore, #tpu.memory_space<semaphore_mem>>) src(%dma_wait3A_895 : memref<128x64xf32, #tpu.memory_space<vmem>>) dst(%dma_wait3A_891 : memref<128x64xf32, #tpu.memory_space<hbm>>)
      %add3A_896 = arith.constant 8 : i32
      %add3A_897 = arith.addi %mul3A_523, %add3A_896 : i32
      %add3A_898 = arith.constant 2 : i32
      %add3A_899 = arith.addi %add3A_897, %add3A_898 : i32
      %dma_start3A_900 = arith.constant 2 : i32
      %dma_start3A_901 = arith.constant 2 : i32
      %dma_start3A_902 = arith.constant 0 : i32
      %dma_start3A_903 = arith.constant 0 : i32
      %dma_start3A_904 = tpu.memref_slice %arg6[%dma_start3A_900, %dma_start3A_902, %dma_start3A_903] : memref<8x128x64xf32, #tpu.memory_space<vmem>> -> memref<1x128x64xf32, #tpu.memory_space<vmem>>
      %dma_start3A_905 = tpu.memref_squeeze %dma_start3A_904 : memref<1x128x64xf32, #tpu.memory_space<vmem>> -> memref<128x64xf32, #tpu.memory_space<vmem>>
      %dma_start3A_906 = arith.constant 0 : i32
      %dma_start3A_907 = tpu.memref_slice %arg5[%add3A_899, %dma_start3A_906] : memref<200x128xi32, #tpu.memory_space<vmem>> -> memref<1x128xi32, #tpu.memory_space<vmem>>
      %dma_start3A_908 = tpu.memref_squeeze %dma_start3A_907 : memref<1x128xi32, #tpu.memory_space<vmem>> -> memref<128xi32, #tpu.memory_space<vmem>>
      %dma_start3A_909 = arith.constant 0 : i32
      %dma_start3A_910 = arith.constant 0 : i32
      %dma_start3A_911 = tpu.memref_slice %arg3[%dma_start3A_909, %dma_start3A_910] : memref<1000000x64xf32, #tpu.memory_space<hbm>> -> memref<1000000x64xf32, #tpu.memory_space<hbm>>
      %dma_start3A_912 = tpu.memref_slice %arg7[%dma_start3A_901] : memref<8x!tpu.dma_semaphore, #tpu.memory_space<semaphore_mem>> -> memref<1x!tpu.dma_semaphore, #tpu.memory_space<semaphore_mem>>
      %dma_start3A_913 = tpu.memref_squeeze %dma_start3A_912 : memref<1x!tpu.dma_semaphore, #tpu.memory_space<semaphore_mem>> -> memref<!tpu.dma_semaphore, #tpu.memory_space<semaphore_mem>>
      tpu.enqueue_indirect_dma source(%dma_start3A_911 : memref<1000000x64xf32, #tpu.memory_space<hbm>>) target(%dma_start3A_905 : memref<128x64xf32, #tpu.memory_space<vmem>>) offsets(%dma_start3A_908 : memref<128xi32, #tpu.memory_space<vmem>>) semaphore(%dma_start3A_913 : memref<!tpu.dma_semaphore, #tpu.memory_space<semaphore_mem>>)
      %dma_wait3A_914 = arith.constant 3 : i32
      %dma_wait3A_915 = arith.constant 3 : i32
      %dma_wait3A_916 = arith.constant 0 : i32
      %dma_wait3A_917 = arith.constant 0 : i32
      %dma_wait3A_918 = tpu.memref_slice %arg6[%dma_wait3A_914, %dma_wait3A_916, %dma_wait3A_917] : memref<8x128x64xf32, #tpu.memory_space<vmem>> -> memref<1x128x64xf32, #tpu.memory_space<vmem>>
      %dma_wait3A_919 = tpu.memref_squeeze %dma_wait3A_918 : memref<1x128x64xf32, #tpu.memory_space<vmem>> -> memref<128x64xf32, #tpu.memory_space<vmem>>
      %dma_wait3A_920 = arith.constant 0 : i32
      %dma_wait3A_921 = tpu.memref_slice %arg4[%mul3A_2, %dma_wait3A_920] : memref<819200x64xf32, #tpu.memory_space<hbm>> -> memref<128x64xf32, #tpu.memory_space<hbm>>
      %dma_wait3A_922 = tpu.memref_slice %arg8[%dma_wait3A_915] : memref<8x!tpu.dma_semaphore, #tpu.memory_space<semaphore_mem>> -> memref<1x!tpu.dma_semaphore, #tpu.memory_space<semaphore_mem>>
      %dma_wait3A_923 = tpu.memref_squeeze %dma_wait3A_922 : memref<1x!tpu.dma_semaphore, #tpu.memory_space<semaphore_mem>> -> memref<!tpu.dma_semaphore, #tpu.memory_space<semaphore_mem>>
      %dma_wait3A_924 = arith.constant 0 : i32
      %dma_wait3A_925 = tpu.memref_slice %arg4[%mul3A_2, %dma_wait3A_924] : memref<819200x64xf32, #tpu.memory_space<hbm>> -> memref<128x64xf32, #tpu.memory_space<hbm>>
      %dma_wait3A_926 = arith.constant 0 : i32
      %dma_wait3A_927 = arith.constant 0 : i32
      %dma_wait3A_928 = tpu.memref_slice %arg6[%dma_wait3A_914, %dma_wait3A_926, %dma_wait3A_927] : memref<8x128x64xf32, #tpu.memory_space<vmem>> -> memref<1x128x64xf32, #tpu.memory_space<vmem>>
      %dma_wait3A_929 = tpu.memref_squeeze %dma_wait3A_928 : memref<1x128x64xf32, #tpu.memory_space<vmem>> -> memref<128x64xf32, #tpu.memory_space<vmem>>
      tpu.wait_dma2 semaphore(%dma_wait3A_923 : memref<!tpu.dma_semaphore, #tpu.memory_space<semaphore_mem>>) src(%dma_wait3A_929 : memref<128x64xf32, #tpu.memory_space<vmem>>) dst(%dma_wait3A_925 : memref<128x64xf32, #tpu.memory_space<hbm>>)
      %add3A_930 = arith.constant 8 : i32
      %add3A_931 = arith.addi %mul3A_523, %add3A_930 : i32
      %add3A_932 = arith.constant 3 : i32
      %add3A_933 = arith.addi %add3A_931, %add3A_932 : i32
      %dma_start3A_934 = arith.constant 3 : i32
      %dma_start3A_935 = arith.constant 3 : i32
      %dma_start3A_936 = arith.constant 0 : i32
      %dma_start3A_937 = arith.constant 0 : i32
      %dma_start3A_938 = tpu.memref_slice %arg6[%dma_start3A_934, %dma_start3A_936, %dma_start3A_937] : memref<8x128x64xf32, #tpu.memory_space<vmem>> -> memref<1x128x64xf32, #tpu.memory_space<vmem>>
      %dma_start3A_939 = tpu.memref_squeeze %dma_start3A_938 : memref<1x128x64xf32, #tpu.memory_space<vmem>> -> memref<128x64xf32, #tpu.memory_space<vmem>>
      %dma_start3A_940 = arith.constant 0 : i32
      %dma_start3A_941 = tpu.memref_slice %arg5[%add3A_933, %dma_start3A_940] : memref<200x128xi32, #tpu.memory_space<vmem>> -> memref<1x128xi32, #tpu.memory_space<vmem>>
      %dma_start3A_942 = tpu.memref_squeeze %dma_start3A_941 : memref<1x128xi32, #tpu.memory_space<vmem>> -> memref<128xi32, #tpu.memory_space<vmem>>
      %dma_start3A_943 = arith.constant 0 : i32
      %dma_start3A_944 = arith.constant 0 : i32
      %dma_start3A_945 = tpu.memref_slice %arg3[%dma_start3A_943, %dma_start3A_944] : memref<1000000x64xf32, #tpu.memory_space<hbm>> -> memref<1000000x64xf32, #tpu.memory_space<hbm>>
      %dma_start3A_946 = tpu.memref_slice %arg7[%dma_start3A_935] : memref<8x!tpu.dma_semaphore, #tpu.memory_space<semaphore_mem>> -> memref<1x!tpu.dma_semaphore, #tpu.memory_space<semaphore_mem>>
      %dma_start3A_947 = tpu.memref_squeeze %dma_start3A_946 : memref<1x!tpu.dma_semaphore, #tpu.memory_space<semaphore_mem>> -> memref<!tpu.dma_semaphore, #tpu.memory_space<semaphore_mem>>
      tpu.enqueue_indirect_dma source(%dma_start3A_945 : memref<1000000x64xf32, #tpu.memory_space<hbm>>) target(%dma_start3A_939 : memref<128x64xf32, #tpu.memory_space<vmem>>) offsets(%dma_start3A_942 : memref<128xi32, #tpu.memory_space<vmem>>) semaphore(%dma_start3A_947 : memref<!tpu.dma_semaphore, #tpu.memory_space<semaphore_mem>>)
      %dma_wait3A_948 = arith.constant 4 : i32
      %dma_wait3A_949 = arith.constant 4 : i32
      %dma_wait3A_950 = arith.constant 0 : i32
      %dma_wait3A_951 = arith.constant 0 : i32
      %dma_wait3A_952 = tpu.memref_slice %arg6[%dma_wait3A_948, %dma_wait3A_950, %dma_wait3A_951] : memref<8x128x64xf32, #tpu.memory_space<vmem>> -> memref<1x128x64xf32, #tpu.memory_space<vmem>>
      %dma_wait3A_953 = tpu.memref_squeeze %dma_wait3A_952 : memref<1x128x64xf32, #tpu.memory_space<vmem>> -> memref<128x64xf32, #tpu.memory_space<vmem>>
      %dma_wait3A_954 = arith.constant 0 : i32
      %dma_wait3A_955 = tpu.memref_slice %arg4[%mul3A_2, %dma_wait3A_954] : memref<819200x64xf32, #tpu.memory_space<hbm>> -> memref<128x64xf32, #tpu.memory_space<hbm>>
      %dma_wait3A_956 = tpu.memref_slice %arg8[%dma_wait3A_949] : memref<8x!tpu.dma_semaphore, #tpu.memory_space<semaphore_mem>> -> memref<1x!tpu.dma_semaphore, #tpu.memory_space<semaphore_mem>>
      %dma_wait3A_957 = tpu.memref_squeeze %dma_wait3A_956 : memref<1x!tpu.dma_semaphore, #tpu.memory_space<semaphore_mem>> -> memref<!tpu.dma_semaphore, #tpu.memory_space<semaphore_mem>>
      %dma_wait3A_958 = arith.constant 0 : i32
      %dma_wait3A_959 = tpu.memref_slice %arg4[%mul3A_2, %dma_wait3A_958] : memref<819200x64xf32, #tpu.memory_space<hbm>> -> memref<128x64xf32, #tpu.memory_space<hbm>>
      %dma_wait3A_960 = arith.constant 0 : i32
      %dma_wait3A_961 = arith.constant 0 : i32
      %dma_wait3A_962 = tpu.memref_slice %arg6[%dma_wait3A_948, %dma_wait3A_960, %dma_wait3A_961] : memref<8x128x64xf32, #tpu.memory_space<vmem>> -> memref<1x128x64xf32, #tpu.memory_space<vmem>>
      %dma_wait3A_963 = tpu.memref_squeeze %dma_wait3A_962 : memref<1x128x64xf32, #tpu.memory_space<vmem>> -> memref<128x64xf32, #tpu.memory_space<vmem>>
      tpu.wait_dma2 semaphore(%dma_wait3A_957 : memref<!tpu.dma_semaphore, #tpu.memory_space<semaphore_mem>>) src(%dma_wait3A_963 : memref<128x64xf32, #tpu.memory_space<vmem>>) dst(%dma_wait3A_959 : memref<128x64xf32, #tpu.memory_space<hbm>>)
      %add3A_964 = arith.constant 8 : i32
      %add3A_965 = arith.addi %mul3A_523, %add3A_964 : i32
      %add3A_966 = arith.constant 4 : i32
      %add3A_967 = arith.addi %add3A_965, %add3A_966 : i32
      %dma_start3A_968 = arith.constant 4 : i32
      %dma_start3A_969 = arith.constant 4 : i32
      %dma_start3A_970 = arith.constant 0 : i32
      %dma_start3A_971 = arith.constant 0 : i32
      %dma_start3A_972 = tpu.memref_slice %arg6[%dma_start3A_968, %dma_start3A_970, %dma_start3A_971] : memref<8x128x64xf32, #tpu.memory_space<vmem>> -> memref<1x128x64xf32, #tpu.memory_space<vmem>>
      %dma_start3A_973 = tpu.memref_squeeze %dma_start3A_972 : memref<1x128x64xf32, #tpu.memory_space<vmem>> -> memref<128x64xf32, #tpu.memory_space<vmem>>
      %dma_start3A_974 = arith.constant 0 : i32
      %dma_start3A_975 = tpu.memref_slice %arg5[%add3A_967, %dma_start3A_974] : memref<200x128xi32, #tpu.memory_space<vmem>> -> memref<1x128xi32, #tpu.memory_space<vmem>>
      %dma_start3A_976 = tpu.memref_squeeze %dma_start3A_975 : memref<1x128xi32, #tpu.memory_space<vmem>> -> memref<128xi32, #tpu.memory_space<vmem>>
      %dma_start3A_977 = arith.constant 0 : i32
      %dma_start3A_978 = arith.constant 0 : i32
      %dma_start3A_979 = tpu.memref_slice %arg3[%dma_start3A_977, %dma_start3A_978] : memref<1000000x64xf32, #tpu.memory_space<hbm>> -> memref<1000000x64xf32, #tpu.memory_space<hbm>>
      %dma_start3A_980 = tpu.memref_slice %arg7[%dma_start3A_969] : memref<8x!tpu.dma_semaphore, #tpu.memory_space<semaphore_mem>> -> memref<1x!tpu.dma_semaphore, #tpu.memory_space<semaphore_mem>>
      %dma_start3A_981 = tpu.memref_squeeze %dma_start3A_980 : memref<1x!tpu.dma_semaphore, #tpu.memory_space<semaphore_mem>> -> memref<!tpu.dma_semaphore, #tpu.memory_space<semaphore_mem>>
      tpu.enqueue_indirect_dma source(%dma_start3A_979 : memref<1000000x64xf32, #tpu.memory_space<hbm>>) target(%dma_start3A_973 : memref<128x64xf32, #tpu.memory_space<vmem>>) offsets(%dma_start3A_976 : memref<128xi32, #tpu.memory_space<vmem>>) semaphore(%dma_start3A_981 : memref<!tpu.dma_semaphore, #tpu.memory_space<semaphore_mem>>)
      %dma_wait3A_982 = arith.constant 5 : i32
      %dma_wait3A_983 = arith.constant 5 : i32
      %dma_wait3A_984 = arith.constant 0 : i32
      %dma_wait3A_985 = arith.constant 0 : i32
      %dma_wait3A_986 = tpu.memref_slice %arg6[%dma_wait3A_982, %dma_wait3A_984, %dma_wait3A_985] : memref<8x128x64xf32, #tpu.memory_space<vmem>> -> memref<1x128x64xf32, #tpu.memory_space<vmem>>
      %dma_wait3A_987 = tpu.memref_squeeze %dma_wait3A_986 : memref<1x128x64xf32, #tpu.memory_space<vmem>> -> memref<128x64xf32, #tpu.memory_space<vmem>>
      %dma_wait3A_988 = arith.constant 0 : i32
      %dma_wait3A_989 = tpu.memref_slice %arg4[%mul3A_2, %dma_wait3A_988] : memref<819200x64xf32, #tpu.memory_space<hbm>> -> memref<128x64xf32, #tpu.memory_space<hbm>>
      %dma_wait3A_990 = tpu.memref_slice %arg8[%dma_wait3A_983] : memref<8x!tpu.dma_semaphore, #tpu.memory_space<semaphore_mem>> -> memref<1x!tpu.dma_semaphore, #tpu.memory_space<semaphore_mem>>
      %dma_wait3A_991 = tpu.memref_squeeze %dma_wait3A_990 : memref<1x!tpu.dma_semaphore, #tpu.memory_space<semaphore_mem>> -> memref<!tpu.dma_semaphore, #tpu.memory_space<semaphore_mem>>
      %dma_wait3A_992 = arith.constant 0 : i32
      %dma_wait3A_993 = tpu.memref_slice %arg4[%mul3A_2, %dma_wait3A_992] : memref<819200x64xf32, #tpu.memory_space<hbm>> -> memref<128x64xf32, #tpu.memory_space<hbm>>
      %dma_wait3A_994 = arith.constant 0 : i32
      %dma_wait3A_995 = arith.constant 0 : i32
      %dma_wait3A_996 = tpu.memref_slice %arg6[%dma_wait3A_982, %dma_wait3A_994, %dma_wait3A_995] : memref<8x128x64xf32, #tpu.memory_space<vmem>> -> memref<1x128x64xf32, #tpu.memory_space<vmem>>
      %dma_wait3A_997 = tpu.memref_squeeze %dma_wait3A_996 : memref<1x128x64xf32, #tpu.memory_space<vmem>> -> memref<128x64xf32, #tpu.memory_space<vmem>>
      tpu.wait_dma2 semaphore(%dma_wait3A_991 : memref<!tpu.dma_semaphore, #tpu.memory_space<semaphore_mem>>) src(%dma_wait3A_997 : memref<128x64xf32, #tpu.memory_space<vmem>>) dst(%dma_wait3A_993 : memref<128x64xf32, #tpu.memory_space<hbm>>)
      %add3A_998 = arith.constant 8 : i32
      %add3A_999 = arith.addi %mul3A_523, %add3A_998 : i32
      %add3A_1000 = arith.constant 5 : i32
      %add3A_1001 = arith.addi %add3A_999, %add3A_1000 : i32
      %dma_start3A_1002 = arith.constant 5 : i32
      %dma_start3A_1003 = arith.constant 5 : i32
      %dma_start3A_1004 = arith.constant 0 : i32
      %dma_start3A_1005 = arith.constant 0 : i32
      %dma_start3A_1006 = tpu.memref_slice %arg6[%dma_start3A_1002, %dma_start3A_1004, %dma_start3A_1005] : memref<8x128x64xf32, #tpu.memory_space<vmem>> -> memref<1x128x64xf32, #tpu.memory_space<vmem>>
      %dma_start3A_1007 = tpu.memref_squeeze %dma_start3A_1006 : memref<1x128x64xf32, #tpu.memory_space<vmem>> -> memref<128x64xf32, #tpu.memory_space<vmem>>
      %dma_start3A_1008 = arith.constant 0 : i32
      %dma_start3A_1009 = tpu.memref_slice %arg5[%add3A_1001, %dma_start3A_1008] : memref<200x128xi32, #tpu.memory_space<vmem>> -> memref<1x128xi32, #tpu.memory_space<vmem>>
      %dma_start3A_1010 = tpu.memref_squeeze %dma_start3A_1009 : memref<1x128xi32, #tpu.memory_space<vmem>> -> memref<128xi32, #tpu.memory_space<vmem>>
      %dma_start3A_1011 = arith.constant 0 : i32
      %dma_start3A_1012 = arith.constant 0 : i32
      %dma_start3A_1013 = tpu.memref_slice %arg3[%dma_start3A_1011, %dma_start3A_1012] : memref<1000000x64xf32, #tpu.memory_space<hbm>> -> memref<1000000x64xf32, #tpu.memory_space<hbm>>
      %dma_start3A_1014 = tpu.memref_slice %arg7[%dma_start3A_1003] : memref<8x!tpu.dma_semaphore, #tpu.memory_space<semaphore_mem>> -> memref<1x!tpu.dma_semaphore, #tpu.memory_space<semaphore_mem>>
      %dma_start3A_1015 = tpu.memref_squeeze %dma_start3A_1014 : memref<1x!tpu.dma_semaphore, #tpu.memory_space<semaphore_mem>> -> memref<!tpu.dma_semaphore, #tpu.memory_space<semaphore_mem>>
      tpu.enqueue_indirect_dma source(%dma_start3A_1013 : memref<1000000x64xf32, #tpu.memory_space<hbm>>) target(%dma_start3A_1007 : memref<128x64xf32, #tpu.memory_space<vmem>>) offsets(%dma_start3A_1010 : memref<128xi32, #tpu.memory_space<vmem>>) semaphore(%dma_start3A_1015 : memref<!tpu.dma_semaphore, #tpu.memory_space<semaphore_mem>>)
      %dma_wait3A_1016 = arith.constant 6 : i32
      %dma_wait3A_1017 = arith.constant 6 : i32
      %dma_wait3A_1018 = arith.constant 0 : i32
      %dma_wait3A_1019 = arith.constant 0 : i32
      %dma_wait3A_1020 = tpu.memref_slice %arg6[%dma_wait3A_1016, %dma_wait3A_1018, %dma_wait3A_1019] : memref<8x128x64xf32, #tpu.memory_space<vmem>> -> memref<1x128x64xf32, #tpu.memory_space<vmem>>
      %dma_wait3A_1021 = tpu.memref_squeeze %dma_wait3A_1020 : memref<1x128x64xf32, #tpu.memory_space<vmem>> -> memref<128x64xf32, #tpu.memory_space<vmem>>
      %dma_wait3A_1022 = arith.constant 0 : i32
      %dma_wait3A_1023 = tpu.memref_slice %arg4[%mul3A_2, %dma_wait3A_1022] : memref<819200x64xf32, #tpu.memory_space<hbm>> -> memref<128x64xf32, #tpu.memory_space<hbm>>
      %dma_wait3A_1024 = tpu.memref_slice %arg8[%dma_wait3A_1017] : memref<8x!tpu.dma_semaphore, #tpu.memory_space<semaphore_mem>> -> memref<1x!tpu.dma_semaphore, #tpu.memory_space<semaphore_mem>>
      %dma_wait3A_1025 = tpu.memref_squeeze %dma_wait3A_1024 : memref<1x!tpu.dma_semaphore, #tpu.memory_space<semaphore_mem>> -> memref<!tpu.dma_semaphore, #tpu.memory_space<semaphore_mem>>
      %dma_wait3A_1026 = arith.constant 0 : i32
      %dma_wait3A_1027 = tpu.memref_slice %arg4[%mul3A_2, %dma_wait3A_1026] : memref<819200x64xf32, #tpu.memory_space<hbm>> -> memref<128x64xf32, #tpu.memory_space<hbm>>
      %dma_wait3A_1028 = arith.constant 0 : i32
      %dma_wait3A_1029 = arith.constant 0 : i32
      %dma_wait3A_1030 = tpu.memref_slice %arg6[%dma_wait3A_1016, %dma_wait3A_1028, %dma_wait3A_1029] : memref<8x128x64xf32, #tpu.memory_space<vmem>> -> memref<1x128x64xf32, #tpu.memory_space<vmem>>
      %dma_wait3A_1031 = tpu.memref_squeeze %dma_wait3A_1030 : memref<1x128x64xf32, #tpu.memory_space<vmem>> -> memref<128x64xf32, #tpu.memory_space<vmem>>
      tpu.wait_dma2 semaphore(%dma_wait3A_1025 : memref<!tpu.dma_semaphore, #tpu.memory_space<semaphore_mem>>) src(%dma_wait3A_1031 : memref<128x64xf32, #tpu.memory_space<vmem>>) dst(%dma_wait3A_1027 : memref<128x64xf32, #tpu.memory_space<hbm>>)
      %add3A_1032 = arith.constant 8 : i32
      %add3A_1033 = arith.addi %mul3A_523, %add3A_1032 : i32
      %add3A_1034 = arith.constant 6 : i32
      %add3A_1035 = arith.addi %add3A_1033, %add3A_1034 : i32
      %dma_start3A_1036 = arith.constant 6 : i32
      %dma_start3A_1037 = arith.constant 6 : i32
      %dma_start3A_1038 = arith.constant 0 : i32
      %dma_start3A_1039 = arith.constant 0 : i32
      %dma_start3A_1040 = tpu.memref_slice %arg6[%dma_start3A_1036, %dma_start3A_1038, %dma_start3A_1039] : memref<8x128x64xf32, #tpu.memory_space<vmem>> -> memref<1x128x64xf32, #tpu.memory_space<vmem>>
      %dma_start3A_1041 = tpu.memref_squeeze %dma_start3A_1040 : memref<1x128x64xf32, #tpu.memory_space<vmem>> -> memref<128x64xf32, #tpu.memory_space<vmem>>
      %dma_start3A_1042 = arith.constant 0 : i32
      %dma_start3A_1043 = tpu.memref_slice %arg5[%add3A_1035, %dma_start3A_1042] : memref<200x128xi32, #tpu.memory_space<vmem>> -> memref<1x128xi32, #tpu.memory_space<vmem>>
      %dma_start3A_1044 = tpu.memref_squeeze %dma_start3A_1043 : memref<1x128xi32, #tpu.memory_space<vmem>> -> memref<128xi32, #tpu.memory_space<vmem>>
      %dma_start3A_1045 = arith.constant 0 : i32
      %dma_start3A_1046 = arith.constant 0 : i32
      %dma_start3A_1047 = tpu.memref_slice %arg3[%dma_start3A_1045, %dma_start3A_1046] : memref<1000000x64xf32, #tpu.memory_space<hbm>> -> memref<1000000x64xf32, #tpu.memory_space<hbm>>
      %dma_start3A_1048 = tpu.memref_slice %arg7[%dma_start3A_1037] : memref<8x!tpu.dma_semaphore, #tpu.memory_space<semaphore_mem>> -> memref<1x!tpu.dma_semaphore, #tpu.memory_space<semaphore_mem>>
      %dma_start3A_1049 = tpu.memref_squeeze %dma_start3A_1048 : memref<1x!tpu.dma_semaphore, #tpu.memory_space<semaphore_mem>> -> memref<!tpu.dma_semaphore, #tpu.memory_space<semaphore_mem>>
      tpu.enqueue_indirect_dma source(%dma_start3A_1047 : memref<1000000x64xf32, #tpu.memory_space<hbm>>) target(%dma_start3A_1041 : memref<128x64xf32, #tpu.memory_space<vmem>>) offsets(%dma_start3A_1044 : memref<128xi32, #tpu.memory_space<vmem>>) semaphore(%dma_start3A_1049 : memref<!tpu.dma_semaphore, #tpu.memory_space<semaphore_mem>>)
      %dma_wait3A_1050 = arith.constant 7 : i32
      %dma_wait3A_1051 = arith.constant 7 : i32
      %dma_wait3A_1052 = arith.constant 0 : i32
      %dma_wait3A_1053 = arith.constant 0 : i32
      %dma_wait3A_1054 = tpu.memref_slice %arg6[%dma_wait3A_1050, %dma_wait3A_1052, %dma_wait3A_1053] : memref<8x128x64xf32, #tpu.memory_space<vmem>> -> memref<1x128x64xf32, #tpu.memory_space<vmem>>
      %dma_wait3A_1055 = tpu.memref_squeeze %dma_wait3A_1054 : memref<1x128x64xf32, #tpu.memory_space<vmem>> -> memref<128x64xf32, #tpu.memory_space<vmem>>
      %dma_wait3A_1056 = arith.constant 0 : i32
      %dma_wait3A_1057 = tpu.memref_slice %arg4[%mul3A_2, %dma_wait3A_1056] : memref<819200x64xf32, #tpu.memory_space<hbm>> -> memref<128x64xf32, #tpu.memory_space<hbm>>
      %dma_wait3A_1058 = tpu.memref_slice %arg8[%dma_wait3A_1051] : memref<8x!tpu.dma_semaphore, #tpu.memory_space<semaphore_mem>> -> memref<1x!tpu.dma_semaphore, #tpu.memory_space<semaphore_mem>>
      %dma_wait3A_1059 = tpu.memref_squeeze %dma_wait3A_1058 : memref<1x!tpu.dma_semaphore, #tpu.memory_space<semaphore_mem>> -> memref<!tpu.dma_semaphore, #tpu.memory_space<semaphore_mem>>
      %dma_wait3A_1060 = arith.constant 0 : i32
      %dma_wait3A_1061 = tpu.memref_slice %arg4[%mul3A_2, %dma_wait3A_1060] : memref<819200x64xf32, #tpu.memory_space<hbm>> -> memref<128x64xf32, #tpu.memory_space<hbm>>
      %dma_wait3A_1062 = arith.constant 0 : i32
      %dma_wait3A_1063 = arith.constant 0 : i32
      %dma_wait3A_1064 = tpu.memref_slice %arg6[%dma_wait3A_1050, %dma_wait3A_1062, %dma_wait3A_1063] : memref<8x128x64xf32, #tpu.memory_space<vmem>> -> memref<1x128x64xf32, #tpu.memory_space<vmem>>
      %dma_wait3A_1065 = tpu.memref_squeeze %dma_wait3A_1064 : memref<1x128x64xf32, #tpu.memory_space<vmem>> -> memref<128x64xf32, #tpu.memory_space<vmem>>
      tpu.wait_dma2 semaphore(%dma_wait3A_1059 : memref<!tpu.dma_semaphore, #tpu.memory_space<semaphore_mem>>) src(%dma_wait3A_1065 : memref<128x64xf32, #tpu.memory_space<vmem>>) dst(%dma_wait3A_1061 : memref<128x64xf32, #tpu.memory_space<hbm>>)
      %add3A_1066 = arith.constant 8 : i32
      %add3A_1067 = arith.addi %mul3A_523, %add3A_1066 : i32
      %add3A_1068 = arith.constant 7 : i32
      %add3A_1069 = arith.addi %add3A_1067, %add3A_1068 : i32
      %dma_start3A_1070 = arith.constant 7 : i32
      %dma_start3A_1071 = arith.constant 7 : i32
      %dma_start3A_1072 = arith.constant 0 : i32
      %dma_start3A_1073 = arith.constant 0 : i32
      %dma_start3A_1074 = tpu.memref_slice %arg6[%dma_start3A_1070, %dma_start3A_1072, %dma_start3A_1073] : memref<8x128x64xf32, #tpu.memory_space<vmem>> -> memref<1x128x64xf32, #tpu.memory_space<vmem>>
      %dma_start3A_1075 = tpu.memref_squeeze %dma_start3A_1074 : memref<1x128x64xf32, #tpu.memory_space<vmem>> -> memref<128x64xf32, #tpu.memory_space<vmem>>
      %dma_start3A_1076 = arith.constant 0 : i32
      %dma_start3A_1077 = tpu.memref_slice %arg5[%add3A_1069, %dma_start3A_1076] : memref<200x128xi32, #tpu.memory_space<vmem>> -> memref<1x128xi32, #tpu.memory_space<vmem>>
      %dma_start3A_1078 = tpu.memref_squeeze %dma_start3A_1077 : memref<1x128xi32, #tpu.memory_space<vmem>> -> memref<128xi32, #tpu.memory_space<vmem>>
      %dma_start3A_1079 = arith.constant 0 : i32
      %dma_start3A_1080 = arith.constant 0 : i32
      %dma_start3A_1081 = tpu.memref_slice %arg3[%dma_start3A_1079, %dma_start3A_1080] : memref<1000000x64xf32, #tpu.memory_space<hbm>> -> memref<1000000x64xf32, #tpu.memory_space<hbm>>
      %dma_start3A_1082 = tpu.memref_slice %arg7[%dma_start3A_1071] : memref<8x!tpu.dma_semaphore, #tpu.memory_space<semaphore_mem>> -> memref<1x!tpu.dma_semaphore, #tpu.memory_space<semaphore_mem>>
      %dma_start3A_1083 = tpu.memref_squeeze %dma_start3A_1082 : memref<1x!tpu.dma_semaphore, #tpu.memory_space<semaphore_mem>> -> memref<!tpu.dma_semaphore, #tpu.memory_space<semaphore_mem>>
      tpu.enqueue_indirect_dma source(%dma_start3A_1081 : memref<1000000x64xf32, #tpu.memory_space<hbm>>) target(%dma_start3A_1075 : memref<128x64xf32, #tpu.memory_space<vmem>>) offsets(%dma_start3A_1078 : memref<128xi32, #tpu.memory_space<vmem>>) semaphore(%dma_start3A_1083 : memref<!tpu.dma_semaphore, #tpu.memory_space<semaphore_mem>>)
    }
    %scan3A_125 = arith.constant 24 : i32
    %dma_wait3A = arith.constant 0 : i32
    %dma_wait3A_126 = arith.constant 0 : i32
    %dma_wait3A_127 = arith.constant 0 : i32
    %dma_wait3A_128 = arith.constant 0 : i32
    %dma_wait3A_129 = arith.constant 0 : i32
    %dma_wait3A_130 = tpu.memref_slice %arg6[%dma_wait3A_126, %dma_wait3A_128, %dma_wait3A_129] : memref<8x128x64xf32, #tpu.memory_space<vmem>> -> memref<1x128x64xf32, #tpu.memory_space<vmem>>
    %dma_wait3A_131 = tpu.memref_squeeze %dma_wait3A_130 : memref<1x128x64xf32, #tpu.memory_space<vmem>> -> memref<128x64xf32, #tpu.memory_space<vmem>>
    %dma_wait3A_132 = arith.constant 0 : i32
    %dma_wait3A_133 = tpu.memref_slice %arg5[%dma_wait3A, %dma_wait3A_132] : memref<200x128xi32, #tpu.memory_space<vmem>> -> memref<1x128xi32, #tpu.memory_space<vmem>>
    %dma_wait3A_134 = tpu.memref_squeeze %dma_wait3A_133 : memref<1x128xi32, #tpu.memory_space<vmem>> -> memref<128xi32, #tpu.memory_space<vmem>>
    %dma_wait3A_135 = arith.constant 0 : i32
    %dma_wait3A_136 = arith.constant 0 : i32
    %dma_wait3A_137 = tpu.memref_slice %arg3[%dma_wait3A_135, %dma_wait3A_136] : memref<1000000x64xf32, #tpu.memory_space<hbm>> -> memref<1000000x64xf32, #tpu.memory_space<hbm>>
    %dma_wait3A_138 = tpu.memref_slice %arg7[%dma_wait3A_127] : memref<8x!tpu.dma_semaphore, #tpu.memory_space<semaphore_mem>> -> memref<1x!tpu.dma_semaphore, #tpu.memory_space<semaphore_mem>>
    %dma_wait3A_139 = tpu.memref_squeeze %dma_wait3A_138 : memref<1x!tpu.dma_semaphore, #tpu.memory_space<semaphore_mem>> -> memref<!tpu.dma_semaphore, #tpu.memory_space<semaphore_mem>>
    tpu.wait_indirect_dma semaphore(%dma_wait3A_139 : memref<!tpu.dma_semaphore, #tpu.memory_space<semaphore_mem>>) src(%dma_wait3A_137 : memref<1000000x64xf32, #tpu.memory_space<hbm>>) dst(%dma_wait3A_131 : memref<128x64xf32, #tpu.memory_space<vmem>>)
    %add3A_140 = arith.constant 24576 : i32
    %add3A_141 = arith.addi %mul3A_2, %add3A_140 : i32
    %dma_start3A_142 = arith.constant 0 : i32
    %dma_start3A_143 = arith.constant 0 : i32
    %dma_start3A_144 = arith.constant 0 : i32
    %dma_start3A_145 = arith.constant 0 : i32
    %dma_start3A_146 = tpu.memref_slice %arg6[%dma_start3A_142, %dma_start3A_144, %dma_start3A_145] : memref<8x128x64xf32, #tpu.memory_space<vmem>> -> memref<1x128x64xf32, #tpu.memory_space<vmem>>
    %dma_start3A_147 = tpu.memref_squeeze %dma_start3A_146 : memref<1x128x64xf32, #tpu.memory_space<vmem>> -> memref<128x64xf32, #tpu.memory_space<vmem>>
    %dma_start3A_148 = arith.constant 0 : i32
    %dma_start3A_149 = tpu.memref_slice %arg4[%add3A_141, %dma_start3A_148] : memref<819200x64xf32, #tpu.memory_space<hbm>> -> memref<128x64xf32, #tpu.memory_space<hbm>>
    %dma_start3A_150 = tpu.memref_slice %arg8[%dma_start3A_143] : memref<8x!tpu.dma_semaphore, #tpu.memory_space<semaphore_mem>> -> memref<1x!tpu.dma_semaphore, #tpu.memory_space<semaphore_mem>>
    %dma_start3A_151 = tpu.memref_squeeze %dma_start3A_150 : memref<1x!tpu.dma_semaphore, #tpu.memory_space<semaphore_mem>> -> memref<!tpu.dma_semaphore, #tpu.memory_space<semaphore_mem>>
    %dma_start3A_152 = arith.constant 0 : i32
    %dma_start3A_153 = tpu.memref_slice %arg4[%add3A_141, %dma_start3A_152] : memref<819200x64xf32, #tpu.memory_space<hbm>> -> memref<128x64xf32, #tpu.memory_space<hbm>>
    %dma_start3A_154 = arith.constant 0 : i32
    %dma_start3A_155 = arith.constant 0 : i32
    %dma_start3A_156 = tpu.memref_slice %arg6[%dma_start3A_142, %dma_start3A_154, %dma_start3A_155] : memref<8x128x64xf32, #tpu.memory_space<vmem>> -> memref<1x128x64xf32, #tpu.memory_space<vmem>>
    %dma_start3A_157 = tpu.memref_squeeze %dma_start3A_156 : memref<1x128x64xf32, #tpu.memory_space<vmem>> -> memref<128x64xf32, #tpu.memory_space<vmem>>
    tpu.enqueue_dma source(%dma_start3A_157 : memref<128x64xf32, #tpu.memory_space<vmem>>) target(%dma_start3A_153 : memref<128x64xf32, #tpu.memory_space<hbm>>) target_semaphore(%dma_start3A_151 : memref<!tpu.dma_semaphore, #tpu.memory_space<semaphore_mem>>)
    %dma_wait3A_158 = arith.constant 0 : i32
    %dma_wait3A_159 = arith.constant 1 : i32
    %dma_wait3A_160 = arith.constant 1 : i32
    %dma_wait3A_161 = arith.constant 0 : i32
    %dma_wait3A_162 = arith.constant 0 : i32
    %dma_wait3A_163 = tpu.memref_slice %arg6[%dma_wait3A_159, %dma_wait3A_161, %dma_wait3A_162] : memref<8x128x64xf32, #tpu.memory_space<vmem>> -> memref<1x128x64xf32, #tpu.memory_space<vmem>>
    %dma_wait3A_164 = tpu.memref_squeeze %dma_wait3A_163 : memref<1x128x64xf32, #tpu.memory_space<vmem>> -> memref<128x64xf32, #tpu.memory_space<vmem>>
    %dma_wait3A_165 = arith.constant 0 : i32
    %dma_wait3A_166 = tpu.memref_slice %arg5[%dma_wait3A_158, %dma_wait3A_165] : memref<200x128xi32, #tpu.memory_space<vmem>> -> memref<1x128xi32, #tpu.memory_space<vmem>>
    %dma_wait3A_167 = tpu.memref_squeeze %dma_wait3A_166 : memref<1x128xi32, #tpu.memory_space<vmem>> -> memref<128xi32, #tpu.memory_space<vmem>>
    %dma_wait3A_168 = arith.constant 0 : i32
    %dma_wait3A_169 = arith.constant 0 : i32
    %dma_wait3A_170 = tpu.memref_slice %arg3[%dma_wait3A_168, %dma_wait3A_169] : memref<1000000x64xf32, #tpu.memory_space<hbm>> -> memref<1000000x64xf32, #tpu.memory_space<hbm>>
    %dma_wait3A_171 = tpu.memref_slice %arg7[%dma_wait3A_160] : memref<8x!tpu.dma_semaphore, #tpu.memory_space<semaphore_mem>> -> memref<1x!tpu.dma_semaphore, #tpu.memory_space<semaphore_mem>>
    %dma_wait3A_172 = tpu.memref_squeeze %dma_wait3A_171 : memref<1x!tpu.dma_semaphore, #tpu.memory_space<semaphore_mem>> -> memref<!tpu.dma_semaphore, #tpu.memory_space<semaphore_mem>>
    tpu.wait_indirect_dma semaphore(%dma_wait3A_172 : memref<!tpu.dma_semaphore, #tpu.memory_space<semaphore_mem>>) src(%dma_wait3A_170 : memref<1000000x64xf32, #tpu.memory_space<hbm>>) dst(%dma_wait3A_164 : memref<128x64xf32, #tpu.memory_space<vmem>>)
    %add3A_173 = arith.constant 24704 : i32
    %add3A_174 = arith.addi %mul3A_2, %add3A_173 : i32
    %dma_start3A_175 = arith.constant 1 : i32
    %dma_start3A_176 = arith.constant 1 : i32
    %dma_start3A_177 = arith.constant 0 : i32
    %dma_start3A_178 = arith.constant 0 : i32
    %dma_start3A_179 = tpu.memref_slice %arg6[%dma_start3A_175, %dma_start3A_177, %dma_start3A_178] : memref<8x128x64xf32, #tpu.memory_space<vmem>> -> memref<1x128x64xf32, #tpu.memory_space<vmem>>
    %dma_start3A_180 = tpu.memref_squeeze %dma_start3A_179 : memref<1x128x64xf32, #tpu.memory_space<vmem>> -> memref<128x64xf32, #tpu.memory_space<vmem>>
    %dma_start3A_181 = arith.constant 0 : i32
    %dma_start3A_182 = tpu.memref_slice %arg4[%add3A_174, %dma_start3A_181] : memref<819200x64xf32, #tpu.memory_space<hbm>> -> memref<128x64xf32, #tpu.memory_space<hbm>>
    %dma_start3A_183 = tpu.memref_slice %arg8[%dma_start3A_176] : memref<8x!tpu.dma_semaphore, #tpu.memory_space<semaphore_mem>> -> memref<1x!tpu.dma_semaphore, #tpu.memory_space<semaphore_mem>>
    %dma_start3A_184 = tpu.memref_squeeze %dma_start3A_183 : memref<1x!tpu.dma_semaphore, #tpu.memory_space<semaphore_mem>> -> memref<!tpu.dma_semaphore, #tpu.memory_space<semaphore_mem>>
    %dma_start3A_185 = arith.constant 0 : i32
    %dma_start3A_186 = tpu.memref_slice %arg4[%add3A_174, %dma_start3A_185] : memref<819200x64xf32, #tpu.memory_space<hbm>> -> memref<128x64xf32, #tpu.memory_space<hbm>>
    %dma_start3A_187 = arith.constant 0 : i32
    %dma_start3A_188 = arith.constant 0 : i32
    %dma_start3A_189 = tpu.memref_slice %arg6[%dma_start3A_175, %dma_start3A_187, %dma_start3A_188] : memref<8x128x64xf32, #tpu.memory_space<vmem>> -> memref<1x128x64xf32, #tpu.memory_space<vmem>>
    %dma_start3A_190 = tpu.memref_squeeze %dma_start3A_189 : memref<1x128x64xf32, #tpu.memory_space<vmem>> -> memref<128x64xf32, #tpu.memory_space<vmem>>
    tpu.enqueue_dma source(%dma_start3A_190 : memref<128x64xf32, #tpu.memory_space<vmem>>) target(%dma_start3A_186 : memref<128x64xf32, #tpu.memory_space<hbm>>) target_semaphore(%dma_start3A_184 : memref<!tpu.dma_semaphore, #tpu.memory_space<semaphore_mem>>)
    %dma_wait3A_191 = arith.constant 0 : i32
    %dma_wait3A_192 = arith.constant 2 : i32
    %dma_wait3A_193 = arith.constant 2 : i32
    %dma_wait3A_194 = arith.constant 0 : i32
    %dma_wait3A_195 = arith.constant 0 : i32
    %dma_wait3A_196 = tpu.memref_slice %arg6[%dma_wait3A_192, %dma_wait3A_194, %dma_wait3A_195] : memref<8x128x64xf32, #tpu.memory_space<vmem>> -> memref<1x128x64xf32, #tpu.memory_space<vmem>>
    %dma_wait3A_197 = tpu.memref_squeeze %dma_wait3A_196 : memref<1x128x64xf32, #tpu.memory_space<vmem>> -> memref<128x64xf32, #tpu.memory_space<vmem>>
    %dma_wait3A_198 = arith.constant 0 : i32
    %dma_wait3A_199 = tpu.memref_slice %arg5[%dma_wait3A_191, %dma_wait3A_198] : memref<200x128xi32, #tpu.memory_space<vmem>> -> memref<1x128xi32, #tpu.memory_space<vmem>>
    %dma_wait3A_200 = tpu.memref_squeeze %dma_wait3A_199 : memref<1x128xi32, #tpu.memory_space<vmem>> -> memref<128xi32, #tpu.memory_space<vmem>>
    %dma_wait3A_201 = arith.constant 0 : i32
    %dma_wait3A_202 = arith.constant 0 : i32
    %dma_wait3A_203 = tpu.memref_slice %arg3[%dma_wait3A_201, %dma_wait3A_202] : memref<1000000x64xf32, #tpu.memory_space<hbm>> -> memref<1000000x64xf32, #tpu.memory_space<hbm>>
    %dma_wait3A_204 = tpu.memref_slice %arg7[%dma_wait3A_193] : memref<8x!tpu.dma_semaphore, #tpu.memory_space<semaphore_mem>> -> memref<1x!tpu.dma_semaphore, #tpu.memory_space<semaphore_mem>>
    %dma_wait3A_205 = tpu.memref_squeeze %dma_wait3A_204 : memref<1x!tpu.dma_semaphore, #tpu.memory_space<semaphore_mem>> -> memref<!tpu.dma_semaphore, #tpu.memory_space<semaphore_mem>>
    tpu.wait_indirect_dma semaphore(%dma_wait3A_205 : memref<!tpu.dma_semaphore, #tpu.memory_space<semaphore_mem>>) src(%dma_wait3A_203 : memref<1000000x64xf32, #tpu.memory_space<hbm>>) dst(%dma_wait3A_197 : memref<128x64xf32, #tpu.memory_space<vmem>>)
    %add3A_206 = arith.constant 24832 : i32
    %add3A_207 = arith.addi %mul3A_2, %add3A_206 : i32
    %dma_start3A_208 = arith.constant 2 : i32
    %dma_start3A_209 = arith.constant 2 : i32
    %dma_start3A_210 = arith.constant 0 : i32
    %dma_start3A_211 = arith.constant 0 : i32
    %dma_start3A_212 = tpu.memref_slice %arg6[%dma_start3A_208, %dma_start3A_210, %dma_start3A_211] : memref<8x128x64xf32, #tpu.memory_space<vmem>> -> memref<1x128x64xf32, #tpu.memory_space<vmem>>
    %dma_start3A_213 = tpu.memref_squeeze %dma_start3A_212 : memref<1x128x64xf32, #tpu.memory_space<vmem>> -> memref<128x64xf32, #tpu.memory_space<vmem>>
    %dma_start3A_214 = arith.constant 0 : i32
    %dma_start3A_215 = tpu.memref_slice %arg4[%add3A_207, %dma_start3A_214] : memref<819200x64xf32, #tpu.memory_space<hbm>> -> memref<128x64xf32, #tpu.memory_space<hbm>>
    %dma_start3A_216 = tpu.memref_slice %arg8[%dma_start3A_209] : memref<8x!tpu.dma_semaphore, #tpu.memory_space<semaphore_mem>> -> memref<1x!tpu.dma_semaphore, #tpu.memory_space<semaphore_mem>>
    %dma_start3A_217 = tpu.memref_squeeze %dma_start3A_216 : memref<1x!tpu.dma_semaphore, #tpu.memory_space<semaphore_mem>> -> memref<!tpu.dma_semaphore, #tpu.memory_space<semaphore_mem>>
    %dma_start3A_218 = arith.constant 0 : i32
    %dma_start3A_219 = tpu.memref_slice %arg4[%add3A_207, %dma_start3A_218] : memref<819200x64xf32, #tpu.memory_space<hbm>> -> memref<128x64xf32, #tpu.memory_space<hbm>>
    %dma_start3A_220 = arith.constant 0 : i32
    %dma_start3A_221 = arith.constant 0 : i32
    %dma_start3A_222 = tpu.memref_slice %arg6[%dma_start3A_208, %dma_start3A_220, %dma_start3A_221] : memref<8x128x64xf32, #tpu.memory_space<vmem>> -> memref<1x128x64xf32, #tpu.memory_space<vmem>>
    %dma_start3A_223 = tpu.memref_squeeze %dma_start3A_222 : memref<1x128x64xf32, #tpu.memory_space<vmem>> -> memref<128x64xf32, #tpu.memory_space<vmem>>
    tpu.enqueue_dma source(%dma_start3A_223 : memref<128x64xf32, #tpu.memory_space<vmem>>) target(%dma_start3A_219 : memref<128x64xf32, #tpu.memory_space<hbm>>) target_semaphore(%dma_start3A_217 : memref<!tpu.dma_semaphore, #tpu.memory_space<semaphore_mem>>)
    %dma_wait3A_224 = arith.constant 0 : i32
    %dma_wait3A_225 = arith.constant 3 : i32
    %dma_wait3A_226 = arith.constant 3 : i32
    %dma_wait3A_227 = arith.constant 0 : i32
    %dma_wait3A_228 = arith.constant 0 : i32
    %dma_wait3A_229 = tpu.memref_slice %arg6[%dma_wait3A_225, %dma_wait3A_227, %dma_wait3A_228] : memref<8x128x64xf32, #tpu.memory_space<vmem>> -> memref<1x128x64xf32, #tpu.memory_space<vmem>>
    %dma_wait3A_230 = tpu.memref_squeeze %dma_wait3A_229 : memref<1x128x64xf32, #tpu.memory_space<vmem>> -> memref<128x64xf32, #tpu.memory_space<vmem>>
    %dma_wait3A_231 = arith.constant 0 : i32
    %dma_wait3A_232 = tpu.memref_slice %arg5[%dma_wait3A_224, %dma_wait3A_231] : memref<200x128xi32, #tpu.memory_space<vmem>> -> memref<1x128xi32, #tpu.memory_space<vmem>>
    %dma_wait3A_233 = tpu.memref_squeeze %dma_wait3A_232 : memref<1x128xi32, #tpu.memory_space<vmem>> -> memref<128xi32, #tpu.memory_space<vmem>>
    %dma_wait3A_234 = arith.constant 0 : i32
    %dma_wait3A_235 = arith.constant 0 : i32
    %dma_wait3A_236 = tpu.memref_slice %arg3[%dma_wait3A_234, %dma_wait3A_235] : memref<1000000x64xf32, #tpu.memory_space<hbm>> -> memref<1000000x64xf32, #tpu.memory_space<hbm>>
    %dma_wait3A_237 = tpu.memref_slice %arg7[%dma_wait3A_226] : memref<8x!tpu.dma_semaphore, #tpu.memory_space<semaphore_mem>> -> memref<1x!tpu.dma_semaphore, #tpu.memory_space<semaphore_mem>>
    %dma_wait3A_238 = tpu.memref_squeeze %dma_wait3A_237 : memref<1x!tpu.dma_semaphore, #tpu.memory_space<semaphore_mem>> -> memref<!tpu.dma_semaphore, #tpu.memory_space<semaphore_mem>>
    tpu.wait_indirect_dma semaphore(%dma_wait3A_238 : memref<!tpu.dma_semaphore, #tpu.memory_space<semaphore_mem>>) src(%dma_wait3A_236 : memref<1000000x64xf32, #tpu.memory_space<hbm>>) dst(%dma_wait3A_230 : memref<128x64xf32, #tpu.memory_space<vmem>>)
    %add3A_239 = arith.constant 24960 : i32
    %add3A_240 = arith.addi %mul3A_2, %add3A_239 : i32
    %dma_start3A_241 = arith.constant 3 : i32
    %dma_start3A_242 = arith.constant 3 : i32
    %dma_start3A_243 = arith.constant 0 : i32
    %dma_start3A_244 = arith.constant 0 : i32
    %dma_start3A_245 = tpu.memref_slice %arg6[%dma_start3A_241, %dma_start3A_243, %dma_start3A_244] : memref<8x128x64xf32, #tpu.memory_space<vmem>> -> memref<1x128x64xf32, #tpu.memory_space<vmem>>
    %dma_start3A_246 = tpu.memref_squeeze %dma_start3A_245 : memref<1x128x64xf32, #tpu.memory_space<vmem>> -> memref<128x64xf32, #tpu.memory_space<vmem>>
    %dma_start3A_247 = arith.constant 0 : i32
    %dma_start3A_248 = tpu.memref_slice %arg4[%add3A_240, %dma_start3A_247] : memref<819200x64xf32, #tpu.memory_space<hbm>> -> memref<128x64xf32, #tpu.memory_space<hbm>>
    %dma_start3A_249 = tpu.memref_slice %arg8[%dma_start3A_242] : memref<8x!tpu.dma_semaphore, #tpu.memory_space<semaphore_mem>> -> memref<1x!tpu.dma_semaphore, #tpu.memory_space<semaphore_mem>>
    %dma_start3A_250 = tpu.memref_squeeze %dma_start3A_249 : memref<1x!tpu.dma_semaphore, #tpu.memory_space<semaphore_mem>> -> memref<!tpu.dma_semaphore, #tpu.memory_space<semaphore_mem>>
    %dma_start3A_251 = arith.constant 0 : i32
    %dma_start3A_252 = tpu.memref_slice %arg4[%add3A_240, %dma_start3A_251] : memref<819200x64xf32, #tpu.memory_space<hbm>> -> memref<128x64xf32, #tpu.memory_space<hbm>>
    %dma_start3A_253 = arith.constant 0 : i32
    %dma_start3A_254 = arith.constant 0 : i32
    %dma_start3A_255 = tpu.memref_slice %arg6[%dma_start3A_241, %dma_start3A_253, %dma_start3A_254] : memref<8x128x64xf32, #tpu.memory_space<vmem>> -> memref<1x128x64xf32, #tpu.memory_space<vmem>>
    %dma_start3A_256 = tpu.memref_squeeze %dma_start3A_255 : memref<1x128x64xf32, #tpu.memory_space<vmem>> -> memref<128x64xf32, #tpu.memory_space<vmem>>
    tpu.enqueue_dma source(%dma_start3A_256 : memref<128x64xf32, #tpu.memory_space<vmem>>) target(%dma_start3A_252 : memref<128x64xf32, #tpu.memory_space<hbm>>) target_semaphore(%dma_start3A_250 : memref<!tpu.dma_semaphore, #tpu.memory_space<semaphore_mem>>)
    %dma_wait3A_257 = arith.constant 0 : i32
    %dma_wait3A_258 = arith.constant 4 : i32
    %dma_wait3A_259 = arith.constant 4 : i32
    %dma_wait3A_260 = arith.constant 0 : i32
    %dma_wait3A_261 = arith.constant 0 : i32
    %dma_wait3A_262 = tpu.memref_slice %arg6[%dma_wait3A_258, %dma_wait3A_260, %dma_wait3A_261] : memref<8x128x64xf32, #tpu.memory_space<vmem>> -> memref<1x128x64xf32, #tpu.memory_space<vmem>>
    %dma_wait3A_263 = tpu.memref_squeeze %dma_wait3A_262 : memref<1x128x64xf32, #tpu.memory_space<vmem>> -> memref<128x64xf32, #tpu.memory_space<vmem>>
    %dma_wait3A_264 = arith.constant 0 : i32
    %dma_wait3A_265 = tpu.memref_slice %arg5[%dma_wait3A_257, %dma_wait3A_264] : memref<200x128xi32, #tpu.memory_space<vmem>> -> memref<1x128xi32, #tpu.memory_space<vmem>>
    %dma_wait3A_266 = tpu.memref_squeeze %dma_wait3A_265 : memref<1x128xi32, #tpu.memory_space<vmem>> -> memref<128xi32, #tpu.memory_space<vmem>>
    %dma_wait3A_267 = arith.constant 0 : i32
    %dma_wait3A_268 = arith.constant 0 : i32
    %dma_wait3A_269 = tpu.memref_slice %arg3[%dma_wait3A_267, %dma_wait3A_268] : memref<1000000x64xf32, #tpu.memory_space<hbm>> -> memref<1000000x64xf32, #tpu.memory_space<hbm>>
    %dma_wait3A_270 = tpu.memref_slice %arg7[%dma_wait3A_259] : memref<8x!tpu.dma_semaphore, #tpu.memory_space<semaphore_mem>> -> memref<1x!tpu.dma_semaphore, #tpu.memory_space<semaphore_mem>>
    %dma_wait3A_271 = tpu.memref_squeeze %dma_wait3A_270 : memref<1x!tpu.dma_semaphore, #tpu.memory_space<semaphore_mem>> -> memref<!tpu.dma_semaphore, #tpu.memory_space<semaphore_mem>>
    tpu.wait_indirect_dma semaphore(%dma_wait3A_271 : memref<!tpu.dma_semaphore, #tpu.memory_space<semaphore_mem>>) src(%dma_wait3A_269 : memref<1000000x64xf32, #tpu.memory_space<hbm>>) dst(%dma_wait3A_263 : memref<128x64xf32, #tpu.memory_space<vmem>>)
    %add3A_272 = arith.constant 25088 : i32
    %add3A_273 = arith.addi %mul3A_2, %add3A_272 : i32
    %dma_start3A_274 = arith.constant 4 : i32
    %dma_start3A_275 = arith.constant 4 : i32
    %dma_start3A_276 = arith.constant 0 : i32
    %dma_start3A_277 = arith.constant 0 : i32
    %dma_start3A_278 = tpu.memref_slice %arg6[%dma_start3A_274, %dma_start3A_276, %dma_start3A_277] : memref<8x128x64xf32, #tpu.memory_space<vmem>> -> memref<1x128x64xf32, #tpu.memory_space<vmem>>
    %dma_start3A_279 = tpu.memref_squeeze %dma_start3A_278 : memref<1x128x64xf32, #tpu.memory_space<vmem>> -> memref<128x64xf32, #tpu.memory_space<vmem>>
    %dma_start3A_280 = arith.constant 0 : i32
    %dma_start3A_281 = tpu.memref_slice %arg4[%add3A_273, %dma_start3A_280] : memref<819200x64xf32, #tpu.memory_space<hbm>> -> memref<128x64xf32, #tpu.memory_space<hbm>>
    %dma_start3A_282 = tpu.memref_slice %arg8[%dma_start3A_275] : memref<8x!tpu.dma_semaphore, #tpu.memory_space<semaphore_mem>> -> memref<1x!tpu.dma_semaphore, #tpu.memory_space<semaphore_mem>>
    %dma_start3A_283 = tpu.memref_squeeze %dma_start3A_282 : memref<1x!tpu.dma_semaphore, #tpu.memory_space<semaphore_mem>> -> memref<!tpu.dma_semaphore, #tpu.memory_space<semaphore_mem>>
    %dma_start3A_284 = arith.constant 0 : i32
    %dma_start3A_285 = tpu.memref_slice %arg4[%add3A_273, %dma_start3A_284] : memref<819200x64xf32, #tpu.memory_space<hbm>> -> memref<128x64xf32, #tpu.memory_space<hbm>>
    %dma_start3A_286 = arith.constant 0 : i32
    %dma_start3A_287 = arith.constant 0 : i32
    %dma_start3A_288 = tpu.memref_slice %arg6[%dma_start3A_274, %dma_start3A_286, %dma_start3A_287] : memref<8x128x64xf32, #tpu.memory_space<vmem>> -> memref<1x128x64xf32, #tpu.memory_space<vmem>>
    %dma_start3A_289 = tpu.memref_squeeze %dma_start3A_288 : memref<1x128x64xf32, #tpu.memory_space<vmem>> -> memref<128x64xf32, #tpu.memory_space<vmem>>
    tpu.enqueue_dma source(%dma_start3A_289 : memref<128x64xf32, #tpu.memory_space<vmem>>) target(%dma_start3A_285 : memref<128x64xf32, #tpu.memory_space<hbm>>) target_semaphore(%dma_start3A_283 : memref<!tpu.dma_semaphore, #tpu.memory_space<semaphore_mem>>)
    %dma_wait3A_290 = arith.constant 0 : i32
    %dma_wait3A_291 = arith.constant 5 : i32
    %dma_wait3A_292 = arith.constant 5 : i32
    %dma_wait3A_293 = arith.constant 0 : i32
    %dma_wait3A_294 = arith.constant 0 : i32
    %dma_wait3A_295 = tpu.memref_slice %arg6[%dma_wait3A_291, %dma_wait3A_293, %dma_wait3A_294] : memref<8x128x64xf32, #tpu.memory_space<vmem>> -> memref<1x128x64xf32, #tpu.memory_space<vmem>>
    %dma_wait3A_296 = tpu.memref_squeeze %dma_wait3A_295 : memref<1x128x64xf32, #tpu.memory_space<vmem>> -> memref<128x64xf32, #tpu.memory_space<vmem>>
    %dma_wait3A_297 = arith.constant 0 : i32
    %dma_wait3A_298 = tpu.memref_slice %arg5[%dma_wait3A_290, %dma_wait3A_297] : memref<200x128xi32, #tpu.memory_space<vmem>> -> memref<1x128xi32, #tpu.memory_space<vmem>>
    %dma_wait3A_299 = tpu.memref_squeeze %dma_wait3A_298 : memref<1x128xi32, #tpu.memory_space<vmem>> -> memref<128xi32, #tpu.memory_space<vmem>>
    %dma_wait3A_300 = arith.constant 0 : i32
    %dma_wait3A_301 = arith.constant 0 : i32
    %dma_wait3A_302 = tpu.memref_slice %arg3[%dma_wait3A_300, %dma_wait3A_301] : memref<1000000x64xf32, #tpu.memory_space<hbm>> -> memref<1000000x64xf32, #tpu.memory_space<hbm>>
    %dma_wait3A_303 = tpu.memref_slice %arg7[%dma_wait3A_292] : memref<8x!tpu.dma_semaphore, #tpu.memory_space<semaphore_mem>> -> memref<1x!tpu.dma_semaphore, #tpu.memory_space<semaphore_mem>>
    %dma_wait3A_304 = tpu.memref_squeeze %dma_wait3A_303 : memref<1x!tpu.dma_semaphore, #tpu.memory_space<semaphore_mem>> -> memref<!tpu.dma_semaphore, #tpu.memory_space<semaphore_mem>>
    tpu.wait_indirect_dma semaphore(%dma_wait3A_304 : memref<!tpu.dma_semaphore, #tpu.memory_space<semaphore_mem>>) src(%dma_wait3A_302 : memref<1000000x64xf32, #tpu.memory_space<hbm>>) dst(%dma_wait3A_296 : memref<128x64xf32, #tpu.memory_space<vmem>>)
    %add3A_305 = arith.constant 25216 : i32
    %add3A_306 = arith.addi %mul3A_2, %add3A_305 : i32
    %dma_start3A_307 = arith.constant 5 : i32
    %dma_start3A_308 = arith.constant 5 : i32
    %dma_start3A_309 = arith.constant 0 : i32
    %dma_start3A_310 = arith.constant 0 : i32
    %dma_start3A_311 = tpu.memref_slice %arg6[%dma_start3A_307, %dma_start3A_309, %dma_start3A_310] : memref<8x128x64xf32, #tpu.memory_space<vmem>> -> memref<1x128x64xf32, #tpu.memory_space<vmem>>
    %dma_start3A_312 = tpu.memref_squeeze %dma_start3A_311 : memref<1x128x64xf32, #tpu.memory_space<vmem>> -> memref<128x64xf32, #tpu.memory_space<vmem>>
    %dma_start3A_313 = arith.constant 0 : i32
    %dma_start3A_314 = tpu.memref_slice %arg4[%add3A_306, %dma_start3A_313] : memref<819200x64xf32, #tpu.memory_space<hbm>> -> memref<128x64xf32, #tpu.memory_space<hbm>>
    %dma_start3A_315 = tpu.memref_slice %arg8[%dma_start3A_308] : memref<8x!tpu.dma_semaphore, #tpu.memory_space<semaphore_mem>> -> memref<1x!tpu.dma_semaphore, #tpu.memory_space<semaphore_mem>>
    %dma_start3A_316 = tpu.memref_squeeze %dma_start3A_315 : memref<1x!tpu.dma_semaphore, #tpu.memory_space<semaphore_mem>> -> memref<!tpu.dma_semaphore, #tpu.memory_space<semaphore_mem>>
    %dma_start3A_317 = arith.constant 0 : i32
    %dma_start3A_318 = tpu.memref_slice %arg4[%add3A_306, %dma_start3A_317] : memref<819200x64xf32, #tpu.memory_space<hbm>> -> memref<128x64xf32, #tpu.memory_space<hbm>>
    %dma_start3A_319 = arith.constant 0 : i32
    %dma_start3A_320 = arith.constant 0 : i32
    %dma_start3A_321 = tpu.memref_slice %arg6[%dma_start3A_307, %dma_start3A_319, %dma_start3A_320] : memref<8x128x64xf32, #tpu.memory_space<vmem>> -> memref<1x128x64xf32, #tpu.memory_space<vmem>>
    %dma_start3A_322 = tpu.memref_squeeze %dma_start3A_321 : memref<1x128x64xf32, #tpu.memory_space<vmem>> -> memref<128x64xf32, #tpu.memory_space<vmem>>
    tpu.enqueue_dma source(%dma_start3A_322 : memref<128x64xf32, #tpu.memory_space<vmem>>) target(%dma_start3A_318 : memref<128x64xf32, #tpu.memory_space<hbm>>) target_semaphore(%dma_start3A_316 : memref<!tpu.dma_semaphore, #tpu.memory_space<semaphore_mem>>)
    %dma_wait3A_323 = arith.constant 0 : i32
    %dma_wait3A_324 = arith.constant 6 : i32
    %dma_wait3A_325 = arith.constant 6 : i32
    %dma_wait3A_326 = arith.constant 0 : i32
    %dma_wait3A_327 = arith.constant 0 : i32
    %dma_wait3A_328 = tpu.memref_slice %arg6[%dma_wait3A_324, %dma_wait3A_326, %dma_wait3A_327] : memref<8x128x64xf32, #tpu.memory_space<vmem>> -> memref<1x128x64xf32, #tpu.memory_space<vmem>>
    %dma_wait3A_329 = tpu.memref_squeeze %dma_wait3A_328 : memref<1x128x64xf32, #tpu.memory_space<vmem>> -> memref<128x64xf32, #tpu.memory_space<vmem>>
    %dma_wait3A_330 = arith.constant 0 : i32
    %dma_wait3A_331 = tpu.memref_slice %arg5[%dma_wait3A_323, %dma_wait3A_330] : memref<200x128xi32, #tpu.memory_space<vmem>> -> memref<1x128xi32, #tpu.memory_space<vmem>>
    %dma_wait3A_332 = tpu.memref_squeeze %dma_wait3A_331 : memref<1x128xi32, #tpu.memory_space<vmem>> -> memref<128xi32, #tpu.memory_space<vmem>>
    %dma_wait3A_333 = arith.constant 0 : i32
    %dma_wait3A_334 = arith.constant 0 : i32
    %dma_wait3A_335 = tpu.memref_slice %arg3[%dma_wait3A_333, %dma_wait3A_334] : memref<1000000x64xf32, #tpu.memory_space<hbm>> -> memref<1000000x64xf32, #tpu.memory_space<hbm>>
    %dma_wait3A_336 = tpu.memref_slice %arg7[%dma_wait3A_325] : memref<8x!tpu.dma_semaphore, #tpu.memory_space<semaphore_mem>> -> memref<1x!tpu.dma_semaphore, #tpu.memory_space<semaphore_mem>>
    %dma_wait3A_337 = tpu.memref_squeeze %dma_wait3A_336 : memref<1x!tpu.dma_semaphore, #tpu.memory_space<semaphore_mem>> -> memref<!tpu.dma_semaphore, #tpu.memory_space<semaphore_mem>>
    tpu.wait_indirect_dma semaphore(%dma_wait3A_337 : memref<!tpu.dma_semaphore, #tpu.memory_space<semaphore_mem>>) src(%dma_wait3A_335 : memref<1000000x64xf32, #tpu.memory_space<hbm>>) dst(%dma_wait3A_329 : memref<128x64xf32, #tpu.memory_space<vmem>>)
    %add3A_338 = arith.constant 25344 : i32
    %add3A_339 = arith.addi %mul3A_2, %add3A_338 : i32
    %dma_start3A_340 = arith.constant 6 : i32
    %dma_start3A_341 = arith.constant 6 : i32
    %dma_start3A_342 = arith.constant 0 : i32
    %dma_start3A_343 = arith.constant 0 : i32
    %dma_start3A_344 = tpu.memref_slice %arg6[%dma_start3A_340, %dma_start3A_342, %dma_start3A_343] : memref<8x128x64xf32, #tpu.memory_space<vmem>> -> memref<1x128x64xf32, #tpu.memory_space<vmem>>
    %dma_start3A_345 = tpu.memref_squeeze %dma_start3A_344 : memref<1x128x64xf32, #tpu.memory_space<vmem>> -> memref<128x64xf32, #tpu.memory_space<vmem>>
    %dma_start3A_346 = arith.constant 0 : i32
    %dma_start3A_347 = tpu.memref_slice %arg4[%add3A_339, %dma_start3A_346] : memref<819200x64xf32, #tpu.memory_space<hbm>> -> memref<128x64xf32, #tpu.memory_space<hbm>>
    %dma_start3A_348 = tpu.memref_slice %arg8[%dma_start3A_341] : memref<8x!tpu.dma_semaphore, #tpu.memory_space<semaphore_mem>> -> memref<1x!tpu.dma_semaphore, #tpu.memory_space<semaphore_mem>>
    %dma_start3A_349 = tpu.memref_squeeze %dma_start3A_348 : memref<1x!tpu.dma_semaphore, #tpu.memory_space<semaphore_mem>> -> memref<!tpu.dma_semaphore, #tpu.memory_space<semaphore_mem>>
    %dma_start3A_350 = arith.constant 0 : i32
    %dma_start3A_351 = tpu.memref_slice %arg4[%add3A_339, %dma_start3A_350] : memref<819200x64xf32, #tpu.memory_space<hbm>> -> memref<128x64xf32, #tpu.memory_space<hbm>>
    %dma_start3A_352 = arith.constant 0 : i32
    %dma_start3A_353 = arith.constant 0 : i32
    %dma_start3A_354 = tpu.memref_slice %arg6[%dma_start3A_340, %dma_start3A_352, %dma_start3A_353] : memref<8x128x64xf32, #tpu.memory_space<vmem>> -> memref<1x128x64xf32, #tpu.memory_space<vmem>>
    %dma_start3A_355 = tpu.memref_squeeze %dma_start3A_354 : memref<1x128x64xf32, #tpu.memory_space<vmem>> -> memref<128x64xf32, #tpu.memory_space<vmem>>
    tpu.enqueue_dma source(%dma_start3A_355 : memref<128x64xf32, #tpu.memory_space<vmem>>) target(%dma_start3A_351 : memref<128x64xf32, #tpu.memory_space<hbm>>) target_semaphore(%dma_start3A_349 : memref<!tpu.dma_semaphore, #tpu.memory_space<semaphore_mem>>)
    %dma_wait3A_356 = arith.constant 0 : i32
    %dma_wait3A_357 = arith.constant 7 : i32
    %dma_wait3A_358 = arith.constant 7 : i32
    %dma_wait3A_359 = arith.constant 0 : i32
    %dma_wait3A_360 = arith.constant 0 : i32
    %dma_wait3A_361 = tpu.memref_slice %arg6[%dma_wait3A_357, %dma_wait3A_359, %dma_wait3A_360] : memref<8x128x64xf32, #tpu.memory_space<vmem>> -> memref<1x128x64xf32, #tpu.memory_space<vmem>>
    %dma_wait3A_362 = tpu.memref_squeeze %dma_wait3A_361 : memref<1x128x64xf32, #tpu.memory_space<vmem>> -> memref<128x64xf32, #tpu.memory_space<vmem>>
    %dma_wait3A_363 = arith.constant 0 : i32
    %dma_wait3A_364 = tpu.memref_slice %arg5[%dma_wait3A_356, %dma_wait3A_363] : memref<200x128xi32, #tpu.memory_space<vmem>> -> memref<1x128xi32, #tpu.memory_space<vmem>>
    %dma_wait3A_365 = tpu.memref_squeeze %dma_wait3A_364 : memref<1x128xi32, #tpu.memory_space<vmem>> -> memref<128xi32, #tpu.memory_space<vmem>>
    %dma_wait3A_366 = arith.constant 0 : i32
    %dma_wait3A_367 = arith.constant 0 : i32
    %dma_wait3A_368 = tpu.memref_slice %arg3[%dma_wait3A_366, %dma_wait3A_367] : memref<1000000x64xf32, #tpu.memory_space<hbm>> -> memref<1000000x64xf32, #tpu.memory_space<hbm>>
    %dma_wait3A_369 = tpu.memref_slice %arg7[%dma_wait3A_358] : memref<8x!tpu.dma_semaphore, #tpu.memory_space<semaphore_mem>> -> memref<1x!tpu.dma_semaphore, #tpu.memory_space<semaphore_mem>>
    %dma_wait3A_370 = tpu.memref_squeeze %dma_wait3A_369 : memref<1x!tpu.dma_semaphore, #tpu.memory_space<semaphore_mem>> -> memref<!tpu.dma_semaphore, #tpu.memory_space<semaphore_mem>>
    tpu.wait_indirect_dma semaphore(%dma_wait3A_370 : memref<!tpu.dma_semaphore, #tpu.memory_space<semaphore_mem>>) src(%dma_wait3A_368 : memref<1000000x64xf32, #tpu.memory_space<hbm>>) dst(%dma_wait3A_362 : memref<128x64xf32, #tpu.memory_space<vmem>>)
    %add3A_371 = arith.constant 25472 : i32
    %add3A_372 = arith.addi %mul3A_2, %add3A_371 : i32
    %dma_start3A_373 = arith.constant 7 : i32
    %dma_start3A_374 = arith.constant 7 : i32
    %dma_start3A_375 = arith.constant 0 : i32
    %dma_start3A_376 = arith.constant 0 : i32
    %dma_start3A_377 = tpu.memref_slice %arg6[%dma_start3A_373, %dma_start3A_375, %dma_start3A_376] : memref<8x128x64xf32, #tpu.memory_space<vmem>> -> memref<1x128x64xf32, #tpu.memory_space<vmem>>
    %dma_start3A_378 = tpu.memref_squeeze %dma_start3A_377 : memref<1x128x64xf32, #tpu.memory_space<vmem>> -> memref<128x64xf32, #tpu.memory_space<vmem>>
    %dma_start3A_379 = arith.constant 0 : i32
    %dma_start3A_380 = tpu.memref_slice %arg4[%add3A_372, %dma_start3A_379] : memref<819200x64xf32, #tpu.memory_space<hbm>> -> memref<128x64xf32, #tpu.memory_space<hbm>>
    %dma_start3A_381 = tpu.memref_slice %arg8[%dma_start3A_374] : memref<8x!tpu.dma_semaphore, #tpu.memory_space<semaphore_mem>> -> memref<1x!tpu.dma_semaphore, #tpu.memory_space<semaphore_mem>>
    %dma_start3A_382 = tpu.memref_squeeze %dma_start3A_381 : memref<1x!tpu.dma_semaphore, #tpu.memory_space<semaphore_mem>> -> memref<!tpu.dma_semaphore, #tpu.memory_space<semaphore_mem>>
    %dma_start3A_383 = arith.constant 0 : i32
    %dma_start3A_384 = tpu.memref_slice %arg4[%add3A_372, %dma_start3A_383] : memref<819200x64xf32, #tpu.memory_space<hbm>> -> memref<128x64xf32, #tpu.memory_space<hbm>>
    %dma_start3A_385 = arith.constant 0 : i32
    %dma_start3A_386 = arith.constant 0 : i32
    %dma_start3A_387 = tpu.memref_slice %arg6[%dma_start3A_373, %dma_start3A_385, %dma_start3A_386] : memref<8x128x64xf32, #tpu.memory_space<vmem>> -> memref<1x128x64xf32, #tpu.memory_space<vmem>>
    %dma_start3A_388 = tpu.memref_squeeze %dma_start3A_387 : memref<1x128x64xf32, #tpu.memory_space<vmem>> -> memref<128x64xf32, #tpu.memory_space<vmem>>
    tpu.enqueue_dma source(%dma_start3A_388 : memref<128x64xf32, #tpu.memory_space<vmem>>) target(%dma_start3A_384 : memref<128x64xf32, #tpu.memory_space<hbm>>) target_semaphore(%dma_start3A_382 : memref<!tpu.dma_semaphore, #tpu.memory_space<semaphore_mem>>)
    %dma_wait3A_389 = arith.constant 0 : i32
    %dma_wait3A_390 = arith.constant 0 : i32
    %dma_wait3A_391 = arith.constant 0 : i32
    %dma_wait3A_392 = arith.constant 0 : i32
    %dma_wait3A_393 = tpu.memref_slice %arg6[%dma_wait3A_389, %dma_wait3A_391, %dma_wait3A_392] : memref<8x128x64xf32, #tpu.memory_space<vmem>> -> memref<1x128x64xf32, #tpu.memory_space<vmem>>
    %dma_wait3A_394 = tpu.memref_squeeze %dma_wait3A_393 : memref<1x128x64xf32, #tpu.memory_space<vmem>> -> memref<128x64xf32, #tpu.memory_space<vmem>>
    %dma_wait3A_395 = arith.constant 0 : i32
    %dma_wait3A_396 = tpu.memref_slice %arg4[%mul3A_2, %dma_wait3A_395] : memref<819200x64xf32, #tpu.memory_space<hbm>> -> memref<128x64xf32, #tpu.memory_space<hbm>>
    %dma_wait3A_397 = tpu.memref_slice %arg8[%dma_wait3A_390] : memref<8x!tpu.dma_semaphore, #tpu.memory_space<semaphore_mem>> -> memref<1x!tpu.dma_semaphore, #tpu.memory_space<semaphore_mem>>
    %dma_wait3A_398 = tpu.memref_squeeze %dma_wait3A_397 : memref<1x!tpu.dma_semaphore, #tpu.memory_space<semaphore_mem>> -> memref<!tpu.dma_semaphore, #tpu.memory_space<semaphore_mem>>
    %dma_wait3A_399 = arith.constant 0 : i32
    %dma_wait3A_400 = tpu.memref_slice %arg4[%mul3A_2, %dma_wait3A_399] : memref<819200x64xf32, #tpu.memory_space<hbm>> -> memref<128x64xf32, #tpu.memory_space<hbm>>
    %dma_wait3A_401 = arith.constant 0 : i32
    %dma_wait3A_402 = arith.constant 0 : i32
    %dma_wait3A_403 = tpu.memref_slice %arg6[%dma_wait3A_389, %dma_wait3A_401, %dma_wait3A_402] : memref<8x128x64xf32, #tpu.memory_space<vmem>> -> memref<1x128x64xf32, #tpu.memory_space<vmem>>
    %dma_wait3A_404 = tpu.memref_squeeze %dma_wait3A_403 : memref<1x128x64xf32, #tpu.memory_space<vmem>> -> memref<128x64xf32, #tpu.memory_space<vmem>>
    tpu.wait_dma2 semaphore(%dma_wait3A_398 : memref<!tpu.dma_semaphore, #tpu.memory_space<semaphore_mem>>) src(%dma_wait3A_404 : memref<128x64xf32, #tpu.memory_space<vmem>>) dst(%dma_wait3A_400 : memref<128x64xf32, #tpu.memory_space<hbm>>)
    %dma_wait3A_405 = arith.constant 1 : i32
    %dma_wait3A_406 = arith.constant 1 : i32
    %dma_wait3A_407 = arith.constant 0 : i32
    %dma_wait3A_408 = arith.constant 0 : i32
    %dma_wait3A_409 = tpu.memref_slice %arg6[%dma_wait3A_405, %dma_wait3A_407, %dma_wait3A_408] : memref<8x128x64xf32, #tpu.memory_space<vmem>> -> memref<1x128x64xf32, #tpu.memory_space<vmem>>
    %dma_wait3A_410 = tpu.memref_squeeze %dma_wait3A_409 : memref<1x128x64xf32, #tpu.memory_space<vmem>> -> memref<128x64xf32, #tpu.memory_space<vmem>>
    %dma_wait3A_411 = arith.constant 0 : i32
    %dma_wait3A_412 = tpu.memref_slice %arg4[%mul3A_2, %dma_wait3A_411] : memref<819200x64xf32, #tpu.memory_space<hbm>> -> memref<128x64xf32, #tpu.memory_space<hbm>>
    %dma_wait3A_413 = tpu.memref_slice %arg8[%dma_wait3A_406] : memref<8x!tpu.dma_semaphore, #tpu.memory_space<semaphore_mem>> -> memref<1x!tpu.dma_semaphore, #tpu.memory_space<semaphore_mem>>
    %dma_wait3A_414 = tpu.memref_squeeze %dma_wait3A_413 : memref<1x!tpu.dma_semaphore, #tpu.memory_space<semaphore_mem>> -> memref<!tpu.dma_semaphore, #tpu.memory_space<semaphore_mem>>
    %dma_wait3A_415 = arith.constant 0 : i32
    %dma_wait3A_416 = tpu.memref_slice %arg4[%mul3A_2, %dma_wait3A_415] : memref<819200x64xf32, #tpu.memory_space<hbm>> -> memref<128x64xf32, #tpu.memory_space<hbm>>
    %dma_wait3A_417 = arith.constant 0 : i32
    %dma_wait3A_418 = arith.constant 0 : i32
    %dma_wait3A_419 = tpu.memref_slice %arg6[%dma_wait3A_405, %dma_wait3A_417, %dma_wait3A_418] : memref<8x128x64xf32, #tpu.memory_space<vmem>> -> memref<1x128x64xf32, #tpu.memory_space<vmem>>
    %dma_wait3A_420 = tpu.memref_squeeze %dma_wait3A_419 : memref<1x128x64xf32, #tpu.memory_space<vmem>> -> memref<128x64xf32, #tpu.memory_space<vmem>>
    tpu.wait_dma2 semaphore(%dma_wait3A_414 : memref<!tpu.dma_semaphore, #tpu.memory_space<semaphore_mem>>) src(%dma_wait3A_420 : memref<128x64xf32, #tpu.memory_space<vmem>>) dst(%dma_wait3A_416 : memref<128x64xf32, #tpu.memory_space<hbm>>)
    %dma_wait3A_421 = arith.constant 2 : i32
    %dma_wait3A_422 = arith.constant 2 : i32
    %dma_wait3A_423 = arith.constant 0 : i32
    %dma_wait3A_424 = arith.constant 0 : i32
    %dma_wait3A_425 = tpu.memref_slice %arg6[%dma_wait3A_421, %dma_wait3A_423, %dma_wait3A_424] : memref<8x128x64xf32, #tpu.memory_space<vmem>> -> memref<1x128x64xf32, #tpu.memory_space<vmem>>
    %dma_wait3A_426 = tpu.memref_squeeze %dma_wait3A_425 : memref<1x128x64xf32, #tpu.memory_space<vmem>> -> memref<128x64xf32, #tpu.memory_space<vmem>>
    %dma_wait3A_427 = arith.constant 0 : i32
    %dma_wait3A_428 = tpu.memref_slice %arg4[%mul3A_2, %dma_wait3A_427] : memref<819200x64xf32, #tpu.memory_space<hbm>> -> memref<128x64xf32, #tpu.memory_space<hbm>>
    %dma_wait3A_429 = tpu.memref_slice %arg8[%dma_wait3A_422] : memref<8x!tpu.dma_semaphore, #tpu.memory_space<semaphore_mem>> -> memref<1x!tpu.dma_semaphore, #tpu.memory_space<semaphore_mem>>
    %dma_wait3A_430 = tpu.memref_squeeze %dma_wait3A_429 : memref<1x!tpu.dma_semaphore, #tpu.memory_space<semaphore_mem>> -> memref<!tpu.dma_semaphore, #tpu.memory_space<semaphore_mem>>
    %dma_wait3A_431 = arith.constant 0 : i32
    %dma_wait3A_432 = tpu.memref_slice %arg4[%mul3A_2, %dma_wait3A_431] : memref<819200x64xf32, #tpu.memory_space<hbm>> -> memref<128x64xf32, #tpu.memory_space<hbm>>
    %dma_wait3A_433 = arith.constant 0 : i32
    %dma_wait3A_434 = arith.constant 0 : i32
    %dma_wait3A_435 = tpu.memref_slice %arg6[%dma_wait3A_421, %dma_wait3A_433, %dma_wait3A_434] : memref<8x128x64xf32, #tpu.memory_space<vmem>> -> memref<1x128x64xf32, #tpu.memory_space<vmem>>
    %dma_wait3A_436 = tpu.memref_squeeze %dma_wait3A_435 : memref<1x128x64xf32, #tpu.memory_space<vmem>> -> memref<128x64xf32, #tpu.memory_space<vmem>>
    tpu.wait_dma2 semaphore(%dma_wait3A_430 : memref<!tpu.dma_semaphore, #tpu.memory_space<semaphore_mem>>) src(%dma_wait3A_436 : memref<128x64xf32, #tpu.memory_space<vmem>>) dst(%dma_wait3A_432 : memref<128x64xf32, #tpu.memory_space<hbm>>)
    %dma_wait3A_437 = arith.constant 3 : i32
    %dma_wait3A_438 = arith.constant 3 : i32
    %dma_wait3A_439 = arith.constant 0 : i32
    %dma_wait3A_440 = arith.constant 0 : i32
    %dma_wait3A_441 = tpu.memref_slice %arg6[%dma_wait3A_437, %dma_wait3A_439, %dma_wait3A_440] : memref<8x128x64xf32, #tpu.memory_space<vmem>> -> memref<1x128x64xf32, #tpu.memory_space<vmem>>
    %dma_wait3A_442 = tpu.memref_squeeze %dma_wait3A_441 : memref<1x128x64xf32, #tpu.memory_space<vmem>> -> memref<128x64xf32, #tpu.memory_space<vmem>>
    %dma_wait3A_443 = arith.constant 0 : i32
    %dma_wait3A_444 = tpu.memref_slice %arg4[%mul3A_2, %dma_wait3A_443] : memref<819200x64xf32, #tpu.memory_space<hbm>> -> memref<128x64xf32, #tpu.memory_space<hbm>>
    %dma_wait3A_445 = tpu.memref_slice %arg8[%dma_wait3A_438] : memref<8x!tpu.dma_semaphore, #tpu.memory_space<semaphore_mem>> -> memref<1x!tpu.dma_semaphore, #tpu.memory_space<semaphore_mem>>
    %dma_wait3A_446 = tpu.memref_squeeze %dma_wait3A_445 : memref<1x!tpu.dma_semaphore, #tpu.memory_space<semaphore_mem>> -> memref<!tpu.dma_semaphore, #tpu.memory_space<semaphore_mem>>
    %dma_wait3A_447 = arith.constant 0 : i32
    %dma_wait3A_448 = tpu.memref_slice %arg4[%mul3A_2, %dma_wait3A_447] : memref<819200x64xf32, #tpu.memory_space<hbm>> -> memref<128x64xf32, #tpu.memory_space<hbm>>
    %dma_wait3A_449 = arith.constant 0 : i32
    %dma_wait3A_450 = arith.constant 0 : i32
    %dma_wait3A_451 = tpu.memref_slice %arg6[%dma_wait3A_437, %dma_wait3A_449, %dma_wait3A_450] : memref<8x128x64xf32, #tpu.memory_space<vmem>> -> memref<1x128x64xf32, #tpu.memory_space<vmem>>
    %dma_wait3A_452 = tpu.memref_squeeze %dma_wait3A_451 : memref<1x128x64xf32, #tpu.memory_space<vmem>> -> memref<128x64xf32, #tpu.memory_space<vmem>>
    tpu.wait_dma2 semaphore(%dma_wait3A_446 : memref<!tpu.dma_semaphore, #tpu.memory_space<semaphore_mem>>) src(%dma_wait3A_452 : memref<128x64xf32, #tpu.memory_space<vmem>>) dst(%dma_wait3A_448 : memref<128x64xf32, #tpu.memory_space<hbm>>)
    %dma_wait3A_453 = arith.constant 4 : i32
    %dma_wait3A_454 = arith.constant 4 : i32
    %dma_wait3A_455 = arith.constant 0 : i32
    %dma_wait3A_456 = arith.constant 0 : i32
    %dma_wait3A_457 = tpu.memref_slice %arg6[%dma_wait3A_453, %dma_wait3A_455, %dma_wait3A_456] : memref<8x128x64xf32, #tpu.memory_space<vmem>> -> memref<1x128x64xf32, #tpu.memory_space<vmem>>
    %dma_wait3A_458 = tpu.memref_squeeze %dma_wait3A_457 : memref<1x128x64xf32, #tpu.memory_space<vmem>> -> memref<128x64xf32, #tpu.memory_space<vmem>>
    %dma_wait3A_459 = arith.constant 0 : i32
    %dma_wait3A_460 = tpu.memref_slice %arg4[%mul3A_2, %dma_wait3A_459] : memref<819200x64xf32, #tpu.memory_space<hbm>> -> memref<128x64xf32, #tpu.memory_space<hbm>>
    %dma_wait3A_461 = tpu.memref_slice %arg8[%dma_wait3A_454] : memref<8x!tpu.dma_semaphore, #tpu.memory_space<semaphore_mem>> -> memref<1x!tpu.dma_semaphore, #tpu.memory_space<semaphore_mem>>
    %dma_wait3A_462 = tpu.memref_squeeze %dma_wait3A_461 : memref<1x!tpu.dma_semaphore, #tpu.memory_space<semaphore_mem>> -> memref<!tpu.dma_semaphore, #tpu.memory_space<semaphore_mem>>
    %dma_wait3A_463 = arith.constant 0 : i32
    %dma_wait3A_464 = tpu.memref_slice %arg4[%mul3A_2, %dma_wait3A_463] : memref<819200x64xf32, #tpu.memory_space<hbm>> -> memref<128x64xf32, #tpu.memory_space<hbm>>
    %dma_wait3A_465 = arith.constant 0 : i32
    %dma_wait3A_466 = arith.constant 0 : i32
    %dma_wait3A_467 = tpu.memref_slice %arg6[%dma_wait3A_453, %dma_wait3A_465, %dma_wait3A_466] : memref<8x128x64xf32, #tpu.memory_space<vmem>> -> memref<1x128x64xf32, #tpu.memory_space<vmem>>
    %dma_wait3A_468 = tpu.memref_squeeze %dma_wait3A_467 : memref<1x128x64xf32, #tpu.memory_space<vmem>> -> memref<128x64xf32, #tpu.memory_space<vmem>>
    tpu.wait_dma2 semaphore(%dma_wait3A_462 : memref<!tpu.dma_semaphore, #tpu.memory_space<semaphore_mem>>) src(%dma_wait3A_468 : memref<128x64xf32, #tpu.memory_space<vmem>>) dst(%dma_wait3A_464 : memref<128x64xf32, #tpu.memory_space<hbm>>)
    %dma_wait3A_469 = arith.constant 5 : i32
    %dma_wait3A_470 = arith.constant 5 : i32
    %dma_wait3A_471 = arith.constant 0 : i32
    %dma_wait3A_472 = arith.constant 0 : i32
    %dma_wait3A_473 = tpu.memref_slice %arg6[%dma_wait3A_469, %dma_wait3A_471, %dma_wait3A_472] : memref<8x128x64xf32, #tpu.memory_space<vmem>> -> memref<1x128x64xf32, #tpu.memory_space<vmem>>
    %dma_wait3A_474 = tpu.memref_squeeze %dma_wait3A_473 : memref<1x128x64xf32, #tpu.memory_space<vmem>> -> memref<128x64xf32, #tpu.memory_space<vmem>>
    %dma_wait3A_475 = arith.constant 0 : i32
    %dma_wait3A_476 = tpu.memref_slice %arg4[%mul3A_2, %dma_wait3A_475] : memref<819200x64xf32, #tpu.memory_space<hbm>> -> memref<128x64xf32, #tpu.memory_space<hbm>>
    %dma_wait3A_477 = tpu.memref_slice %arg8[%dma_wait3A_470] : memref<8x!tpu.dma_semaphore, #tpu.memory_space<semaphore_mem>> -> memref<1x!tpu.dma_semaphore, #tpu.memory_space<semaphore_mem>>
    %dma_wait3A_478 = tpu.memref_squeeze %dma_wait3A_477 : memref<1x!tpu.dma_semaphore, #tpu.memory_space<semaphore_mem>> -> memref<!tpu.dma_semaphore, #tpu.memory_space<semaphore_mem>>
    %dma_wait3A_479 = arith.constant 0 : i32
    %dma_wait3A_480 = tpu.memref_slice %arg4[%mul3A_2, %dma_wait3A_479] : memref<819200x64xf32, #tpu.memory_space<hbm>> -> memref<128x64xf32, #tpu.memory_space<hbm>>
    %dma_wait3A_481 = arith.constant 0 : i32
    %dma_wait3A_482 = arith.constant 0 : i32
    %dma_wait3A_483 = tpu.memref_slice %arg6[%dma_wait3A_469, %dma_wait3A_481, %dma_wait3A_482] : memref<8x128x64xf32, #tpu.memory_space<vmem>> -> memref<1x128x64xf32, #tpu.memory_space<vmem>>
    %dma_wait3A_484 = tpu.memref_squeeze %dma_wait3A_483 : memref<1x128x64xf32, #tpu.memory_space<vmem>> -> memref<128x64xf32, #tpu.memory_space<vmem>>
    tpu.wait_dma2 semaphore(%dma_wait3A_478 : memref<!tpu.dma_semaphore, #tpu.memory_space<semaphore_mem>>) src(%dma_wait3A_484 : memref<128x64xf32, #tpu.memory_space<vmem>>) dst(%dma_wait3A_480 : memref<128x64xf32, #tpu.memory_space<hbm>>)
    %dma_wait3A_485 = arith.constant 6 : i32
    %dma_wait3A_486 = arith.constant 6 : i32
    %dma_wait3A_487 = arith.constant 0 : i32
    %dma_wait3A_488 = arith.constant 0 : i32
    %dma_wait3A_489 = tpu.memref_slice %arg6[%dma_wait3A_485, %dma_wait3A_487, %dma_wait3A_488] : memref<8x128x64xf32, #tpu.memory_space<vmem>> -> memref<1x128x64xf32, #tpu.memory_space<vmem>>
    %dma_wait3A_490 = tpu.memref_squeeze %dma_wait3A_489 : memref<1x128x64xf32, #tpu.memory_space<vmem>> -> memref<128x64xf32, #tpu.memory_space<vmem>>
    %dma_wait3A_491 = arith.constant 0 : i32
    %dma_wait3A_492 = tpu.memref_slice %arg4[%mul3A_2, %dma_wait3A_491] : memref<819200x64xf32, #tpu.memory_space<hbm>> -> memref<128x64xf32, #tpu.memory_space<hbm>>
    %dma_wait3A_493 = tpu.memref_slice %arg8[%dma_wait3A_486] : memref<8x!tpu.dma_semaphore, #tpu.memory_space<semaphore_mem>> -> memref<1x!tpu.dma_semaphore, #tpu.memory_space<semaphore_mem>>
    %dma_wait3A_494 = tpu.memref_squeeze %dma_wait3A_493 : memref<1x!tpu.dma_semaphore, #tpu.memory_space<semaphore_mem>> -> memref<!tpu.dma_semaphore, #tpu.memory_space<semaphore_mem>>
    %dma_wait3A_495 = arith.constant 0 : i32
    %dma_wait3A_496 = tpu.memref_slice %arg4[%mul3A_2, %dma_wait3A_495] : memref<819200x64xf32, #tpu.memory_space<hbm>> -> memref<128x64xf32, #tpu.memory_space<hbm>>
    %dma_wait3A_497 = arith.constant 0 : i32
    %dma_wait3A_498 = arith.constant 0 : i32
    %dma_wait3A_499 = tpu.memref_slice %arg6[%dma_wait3A_485, %dma_wait3A_497, %dma_wait3A_498] : memref<8x128x64xf32, #tpu.memory_space<vmem>> -> memref<1x128x64xf32, #tpu.memory_space<vmem>>
    %dma_wait3A_500 = tpu.memref_squeeze %dma_wait3A_499 : memref<1x128x64xf32, #tpu.memory_space<vmem>> -> memref<128x64xf32, #tpu.memory_space<vmem>>
    tpu.wait_dma2 semaphore(%dma_wait3A_494 : memref<!tpu.dma_semaphore, #tpu.memory_space<semaphore_mem>>) src(%dma_wait3A_500 : memref<128x64xf32, #tpu.memory_space<vmem>>) dst(%dma_wait3A_496 : memref<128x64xf32, #tpu.memory_space<hbm>>)
    %dma_wait3A_501 = arith.constant 7 : i32
    %dma_wait3A_502 = arith.constant 7 : i32
    %dma_wait3A_503 = arith.constant 0 : i32
    %dma_wait3A_504 = arith.constant 0 : i32
    %dma_wait3A_505 = tpu.memref_slice %arg6[%dma_wait3A_501, %dma_wait3A_503, %dma_wait3A_504] : memref<8x128x64xf32, #tpu.memory_space<vmem>> -> memref<1x128x64xf32, #tpu.memory_space<vmem>>
    %dma_wait3A_506 = tpu.memref_squeeze %dma_wait3A_505 : memref<1x128x64xf32, #tpu.memory_space<vmem>> -> memref<128x64xf32, #tpu.memory_space<vmem>>
    %dma_wait3A_507 = arith.constant 0 : i32
    %dma_wait3A_508 = tpu.memref_slice %arg4[%mul3A_2, %dma_wait3A_507] : memref<819200x64xf32, #tpu.memory_space<hbm>> -> memref<128x64xf32, #tpu.memory_space<hbm>>
    %dma_wait3A_509 = tpu.memref_slice %arg8[%dma_wait3A_502] : memref<8x!tpu.dma_semaphore, #tpu.memory_space<semaphore_mem>> -> memref<1x!tpu.dma_semaphore, #tpu.memory_space<semaphore_mem>>
    %dma_wait3A_510 = tpu.memref_squeeze %dma_wait3A_509 : memref<1x!tpu.dma_semaphore, #tpu.memory_space<semaphore_mem>> -> memref<!tpu.dma_semaphore, #tpu.memory_space<semaphore_mem>>
    %dma_wait3A_511 = arith.constant 0 : i32
    %dma_wait3A_512 = tpu.memref_slice %arg4[%mul3A_2, %dma_wait3A_511] : memref<819200x64xf32, #tpu.memory_space<hbm>> -> memref<128x64xf32, #tpu.memory_space<hbm>>
    %dma_wait3A_513 = arith.constant 0 : i32
    %dma_wait3A_514 = arith.constant 0 : i32
    %dma_wait3A_515 = tpu.memref_slice %arg6[%dma_wait3A_501, %dma_wait3A_513, %dma_wait3A_514] : memref<8x128x64xf32, #tpu.memory_space<vmem>> -> memref<1x128x64xf32, #tpu.memory_space<vmem>>
    %dma_wait3A_516 = tpu.memref_squeeze %dma_wait3A_515 : memref<1x128x64xf32, #tpu.memory_space<vmem>> -> memref<128x64xf32, #tpu.memory_space<vmem>>
    tpu.wait_dma2 semaphore(%dma_wait3A_510 : memref<!tpu.dma_semaphore, #tpu.memory_space<semaphore_mem>>) src(%dma_wait3A_516 : memref<128x64xf32, #tpu.memory_space<vmem>>) dst(%dma_wait3A_512 : memref<128x64xf32, #tpu.memory_space<hbm>>)
    return
  }
}

</mosaic_0001>

<sc_bundles>
// kernel: _gather.3.cloned.1.call-start
scs
__scs_entry_jumppad:
0x0: {  	(pc) =	sbr.rel $0x88, $3  }
0x1: {  	(tag) =	ssettag $0x0;
	lr =	simm.s32 $0x1  }
0x2: {  	[smem:$0x3F9F] =	sst lr;
	_ =	strace $0xD0000000  }
0x3: {  	_ = 	snop  }
0x4: {  	_ = 	snop  }
0x5: {  	_ = 	snop  }
0x6: {  	_ = 	snop  }
0x7: {  	_ = 	snop  }
__scs_overlays_trampoline_lowered:
0x8: {  	[smem:$0x3FAE] =	sst s0  }
0x9: {  	[smem:$0x3FAF] =	sst s1  }
0xa: {  	[smem:$0x3FB0] =	sst s2  }
0xb: {  	[smem:$0x3FB1] =	sst s3  }
0xc: {  	[smem:$0x3FB2] =	sst s4  }
0xd: {  	[smem:$0x3FB3] =	sst s5  }
0xe: {  	[smem:$0x3FB4] =	sst s6  }
0xf: {  	[smem:$0x3FB5] =	sst s7  }
0x10: {  	[smem:$0x3FB6] =	sst s8  }
0x11: {  	[smem:$0x3FB7] =	sst s9;
	s0 =	simm.s32 @!p0 $0x0  }
0x12: {  	s1 =	sld [smem:$0x3F9D];
	s0 =	simm.s32 @p0 $0x1  }
0x13: {  	[smem:$0x3FB8] =	sst s0;
	s0 =	simm.s32 @!p1 $0x0  }
0x14: {  	s2 =	sld [smem:$0x3F9C];
	s0 =	simm.s32 @p1 $0x1  }
0x15: {  	[smem:$0x3FB9] =	sst s0;
	s0 =	simm.s32 @!p2 $0x0  }
0x16: {  	s3 =	sld [smem:$0x3FDB];
	s0 =	simm.s32 @p2 $0x1  }
0x17: {  	s4 =	simm.s32 $0x1BF5;
	[smem:$0x3FBB] =	sst s0  }
0x18: {  	s0 =	sld [smem:$0x3F9E];
	_ =	swait.ge [sflag:s4], $0x0  }
0x19: {  	s7 =	sld [smem:$0x3F9F]  }
0x1a: {  	s8 =	sadd.s32 $0xFFFFE003, lr  }
0x1b: {  	s9 =	sadd.s32 $0xFFFFFEF7, lr;
	s5 =	simm.s32 $0xFFFFFFFF;
	p2 =	slt.u32 s8, $0xFFFFF086  }
0x1c: {  	p1 =	slt.u32 s9, $0xF7A;
	s5 =	simm.s32 @!p2 $0x0  }
0x1d: {  	s5 =	simm.s32 @p1 $0x1;
	p0 =	seq.s32 s7, s2  }
0x1e: {  	s7 =	smul.u32 @!p0 $0xF7A, s2;
	p2 =	seq.s32 @!p0 s5, $0x0  }
0x1f: {  	s9 =	smul.u32 $0xF7A, s1;
	s8 =	simm.s32 @!p0 $0x1BF5;
	p2 =	por !p2, p0  }
0x20: {  	[sflag:s8] =	ssyncset.s32 @!p0 $0xFFFFF086;
	s6 =	sadd.s32 @!p0 s3, s7;
	s7 =	simm.s32 @!p0 $0x108  }
0x21: {  	s3 =	sadd.s32 s3, s9;
	s6 =	sadd.s32 @!p0 $0x88, s6;
	s7 =	simm.s32 @p2 $0x1082  }
0x22: {  	[simem:s7], [sflag:s8] =	dma.local @!p0 [hbm:s6], $0xF7A  }
0x23: {  	s9 =	sor.u32 $0xD0000000, s2;
	s6 =	simm.s32 $0x108;
	_ =	swait.ge @!p0 [sflag:s8], $0x0  }
0x24: {  	s3 =	sadd.s32 $0x88, s3;
	s6 =	simm.s32 @!p1 $0x1082;
	[sflag:s4] =	ssyncset.s32 $0xFFFFF086  }
0x25: {  	[simem:s6], [sflag:s4] =	dma.local [hbm:s3], $0xF7A  }
0x26: {  	[smem:$0x3F9F] =	sst s1;
	(tag) =	ssettag s2;
	_ =	strace s9  }
0x27: {  	s1 =	sld [smem:$0x3FAF]  }
0x28: {  	s2 =	sld [smem:$0x3FB0]  }
0x29: {  	s4 =	sld [smem:$0x3FB2]  }
0x2a: {  	p0 =	seq.s32 s5, $0x0;
	s5 =	sld [smem:$0x3FB3]  }
0x2b: {  	s6 =	sld [smem:$0x3FB4]  }
0x2c: {  	s7 =	sld [smem:$0x3FB5]  }
0x2d: {  	s3 =	simm.s32 $0x108;
	s8 =	sld [smem:$0x3FB6]  }
0x2e: {  	s3 =	simm.s32 @!p0 $0x1082;
	s9 =	sld [smem:$0x3FB7]  }
0x2f: {  	lr =	sadd.s32 s0, s3;
	s0 =	sld [smem:$0x3FAE]  }
0x30: {  	s3 =	sld [smem:$0x3FB1]  }
0x31: {  	[smem:$0x3FBA] =	sst s10  }
0x32: {  	s10 =	sld [smem:$0x3FB8];
	_ =	sdelay $0x3  }
0x33: {  	p0 =	seq.s32 s10, $0x1;
	s10 =	sld [smem:$0x3FBA];
	_ =	sdelay $0x3  }
0x34: {  	[smem:$0x3FBA] =	sst s10  }
0x35: {  	s10 =	sld [smem:$0x3FB9];
	_ =	sdelay $0x3  }
0x36: {  	p1 =	seq.s32 s10, $0x1;
	s10 =	sld [smem:$0x3FBA];
	_ =	sdelay $0x3  }
0x37: {  	[smem:$0x3FBA] =	sst s10  }
0x38: {  	s10 =	sld [smem:$0x3FBB]  }
0x39: {  	_ = 	snop;
	(pc) =	sbr.ind lr, $3  }
0x3a: {  	_ = 	snop  }
0x3b: {  	_ = 	snop  }
0x3c: {  	p2 =	seq.s32 s10, $0x1;
	s10 =	sld [smem:$0x3FBA]  }
0x3d: {  	_ =	shalt  }
0x3e: {  	_ =	shalt  }
0x3f: {  	_ =	shalt  }
0x40: {  	_ =	shalt  }
0x41: {  	_ =	shalt  }
0x42: {  	_ =	shalt  }
0x43: {  	_ =	shalt  }
0x44: {  	_ =	shalt  }
0x45: {  	_ =	shalt  }
0x46: {  	_ =	shalt  }
0x47: {  	_ =	shalt  }
0x48: {  	_ =	shalt  }
0x49: {  	_ =	shalt  }
0x4a: {  	_ =	shalt  }
0x4b: {  	_ =	shalt  }
0x4c: {  	_ =	shalt  }
0x4d: {  	_ =	shalt  }
0x4e: {  	_ =	shalt  }
0x4f: {  	_ =	shalt  }
0x50: {  	_ =	shalt  }
0x51: {  	_ =	shalt  }
0x52: {  	_ =	shalt  }
0x53: {  	_ =	shalt  }
0x54: {  	_ =	shalt  }
0x55: {  	_ =	shalt  }
0x56: {  	_ =	shalt  }
0x57: {  	_ =	shalt  }
0x58: {  	_ =	shalt  }
0x59: {  	_ =	shalt  }
0x5a: {  	_ =	shalt  }
0x5b: {  	_ =	shalt  }
0x5c: {  	_ =	shalt  }
0x5d: {  	_ =	shalt  }
0x5e: {  	_ =	shalt  }
0x5f: {  	_ =	shalt  }
0x60: {  	_ =	shalt  }
0x61: {  	_ =	shalt  }
0x62: {  	_ =	shalt  }
0x63: {  	_ =	shalt  }
0x64: {  	_ =	shalt  }
0x65: {  	_ =	shalt  }
0x66: {  	_ =	shalt  }
0x67: {  	_ =	shalt  }
0x68: {  	_ =	shalt  }
0x69: {  	_ =	shalt  }
0x6a: {  	_ =	shalt  }
0x6b: {  	_ =	shalt  }
0x6c: {  	_ =	shalt  }
0x6d: {  	_ =	shalt  }
0x6e: {  	_ =	shalt  }
0x6f: {  	_ =	shalt  }
0x70: {  	_ =	shalt  }
0x71: {  	_ =	shalt  }
0x72: {  	_ =	shalt  }
0x73: {  	_ =	shalt  }
0x74: {  	_ =	shalt  }
0x75: {  	_ =	shalt  }
0x76: {  	_ =	shalt  }
0x77: {  	_ =	shalt  }
0x78: {  	_ =	shalt  }
0x79: {  	_ =	shalt  }
0x7a: {  	_ =	shalt  }
0x7b: {  	_ =	shalt  }
0x7c: {  	_ =	shalt  }
0x7d: {  	_ =	shalt  }
0x7e: {  	_ =	shalt  }
0x7f: {  	_ =	shalt  }
0x80: {  	_ =	shalt  }
0x81: {  	_ =	shalt  }
0x82: {  	_ =	shalt  }
0x83: {  	_ =	shalt  }
0x84: {  	_ =	shalt  }
0x85: {  	_ =	shalt  }
0x86: {  	_ =	shalt  }
0x87: {  	_ =	shalt  }
.Lfunc_end0:
.L_simem_size_0:
called_computation.1_lowered:
.L_overlay_start_0:
0x88: {  	s2 =	sld [smem:$0x3FD9]  }
0x89: {  	s3 =	sld [smem:$0x3FFE];
	_ =	sdelay $0x1  }
0x8a: {  	s1 =	srdreg.scid  }
0x8b: {  	s0 =	sand.u32 $0x1, s1  }
0x8c: {  	s17 =	sshll.u32 s0, $0xA;
	s2 =	sadd.s32 s3, s2  }
0x8d: {  	s2 =	sadd.s32 s2, s17  }
0x8e: {  	[smem:$0x3FC6] =	sst s2  }
0x8f: {  	_ = 	snop  }
0x90: {  	s2 =	sld [smem:$0x3FC9]  }
0x91: {  	s18 =	sld [smem:$0x3FD0];
	(tm) =	ssettm $0x1  }
0x92: {  	s4 =	sld [smem:$0x3FFB];
	_ =	sdelay $0x3  }
0x93: {  	_ =	strace s4  }
0x94: {  	s4 =	sld [smem:$0x3FFC];
	_ =	sdelay $0x3  }
0x95: {  	_ =	strace s4  }
0x96: {  	s4 =	sld [smem:$0x3FFD];
	_ =	sdelay $0x3  }
0x97: {  	_ =	strace s4  }
0x98: {  	_ =	strace $0x8FFFFFFF  }
0x99: {  	s19 =	sld [smem:$0x3FDB];
	_ =	sdelay $0x1  }
0x9a: {  	s5 =	simm.s32 $_scs_section_size  }
0x9b: {  	s6 =	simm.s32 $_size__tile_overlayer_lowered;
	s7 =	simm.s32 $_tile_overlayer_lowered  }
0x9c: {  	s22 =	simm.s32 $0x1BFF;
	s21 =	sshll.u32 s7, $0x1;
	s4 =	sadd.s32 s5, s19  }
0x9d: {  	s8 =	simm.s32 $0x0;
	s20 =	sshll.u32 s6, $0x1;
	s6 =	sadd.s32 s21, s4  }
0x9e: {  	[timem:s8], [sflag:s22] =	dma.local [hbm:s6], s20  }
0x9f: {  	_ =	swait.ge [sflag:s22], s20  }
0xa0: {  	s5 =	ssub.s32 $0x0, s20;
	[sflag:s22] =	ssyncset.done $0x0  }
0xa1: {  	[sflag:s22] =	ssyncadd.s32 s5;
	_ =	sdelay $0x1  }
0xa2: {  	s23 =	simm.s32 $0x1B8B  }
0xa3: {  	_ =	swait.ge [sflag:s23], $0x1  }
0xa4: {  	[sflag:s23] =	ssyncset.done $0x0  }
0xa5: {  	s25 =	simm.s32 $0x1B8E;
	s24 =	sld [smem:$0x3FFE];
	[sflag:s23] =	ssyncadd.s32 $0xFFFFFFFF  }
0xa6: {  	s26 =	simm.s32 $execute0_lowered;
	[smem:$0x3FD2] =	sst s25  }
0xa7: {  	s6 =	sshll.u32 s26, $0x1;
	_ =	strace $0x80000046;
	[dreg:$0x1] =	wrdreg $0xFFFFFFFF  }
0xa8: {  	s28 =	simm.s32 $_size_execute0_lowered;
	s4 =	sadd.s32 s4, s6;
	[dreg:$0x0] =	wrdreg $0x0  }
0xa9: {  	s6 =	sshll.u32 s28, $0x1;
	[dreg:$0x2] =	wrdreg s4  }
0xaa: {  	[dreg:$0x3] =	wrdreg s6  }
0xab: {  	[dreg:$0x4] =	wrdreg $0xC0  }
0xac: {  	_ =	task [dreg:s8], $0x5FFFF  }
0xad: {  	[dreg:$0x1] =	wrdreg $0xFFFFFFFF  }
0xae: {  	[dreg:$0x0] =	wrdreg $0x60  }
0xaf: {  	[dreg:$0x2] =	wrdreg s2  }
0xb0: {  	[dreg:$0x3] =	wrdreg s24  }
0xb1: {  	[dreg:$0x4] =	wrdreg s18  }
0xb2: {  	[dreg:$0x5] =	wrdreg $0x9  }
0xb3: {  	_ =	task.clear_ibuf [dreg:s8], $0x6FFFF;
	_ =	strace $0x90000046  }
0xb4: {  	s29 =	simm.s32 $0x9;
	_ =	strace $0x80000048  }
0xb5: {  	_ =	swait.ge [sflag:s29], $0x1  }
0xb6: {  	[sflag:s29] =	ssyncadd.s32 $0xFFFFFFFF  }
0xb7: {  	_ =	strace $0x90000048  }
0xb8: {  	_ =	sfence  }
0xb9: {  	s30 =	sld [smem:$0x0];
	_ =	sdelay $0x2  }
0xba: {  	s31 =	sshll.u32 s1, $0xD;
	s1 =	sshrl.u32 s1, $0x2  }
0xbb: {  	s3 =	sand.u32 $0x4000, s31;
	s1 =	sadd.s32 s1, s30  }
0xbc: {  	s0 =	sor.u32 s3, s0;
	s1 =	sshll.u32 s1, $0x11  }
0xbd: {  	s0 =	sor.u32 s1, s0  }
0xbe: {  	s0 =	sadd.s32 $0x8F2B, s0  }
0xbf: {  	[sflag:s0] =	ssyncadd.remote.s32 $0x1  }
0xc0: {  	_ =	sfence.sel $0xFFFF  }
0xc1: {  	[dreg:$0x0] =	wrdreg $0xFFFFFFFF;
	(pc) =	sbr.abs _section_cstart, $3  }
0xc2: {  	[dreg:$0x1] =	wrdreg $0xFFFFFFFF  }
0xc3: {  	_ =	task.clear_ibuf [dreg:s8], $0x2FFFF;
	_ =	strace $0x9FFFFFFF  }
0xc4: {  	(tm) =	ssettm $0x7FFFFFFF  }
0xc5: {  	_ =	shalt  }
tec
execute0_lowered:
.L_overlay_start_1:
0x0: {  	(tag) =	ssettag $0x1  }
0x1: {  	s0 =	srdreg.scid;
	s10 =	stileid.u32  }
0x2: {  	s1 =	rddreg [dreg:$0x0];
	s7 =	smul.u32 $0x320000, s10  }
0x3: {  	s0 =	sand.u32 $0x1, s0;
	s2 =	sshll.u32 s10, $0x1;
	s10 =	smul.u32 $0xC800, s10  }
0x4: {  	s3 =	rddreg [dreg:$0x1];
	s8 =	smul.u32 $0x190000, s0  }
0x5: {  	s4 =	sor.u32 s0, s2;
	s9 =	ssub.s32 $0x2, s0;
	s0 =	smul.u32 $0x6400, s0  }
0x6: {  	s5 =	rddreg [dreg:$0x2];
	s2 =	simm.s32 $0x0;
	s6 =	smul.u32 $0x6400, s4  }
0x7: {  	[smem:$0x7FF] =	sst s2;
	s11 =	sshrl.u32 s9, $0x1;
	s4 =	smul.u32 $0x190000, s4  }
0x8: {  	_ =	strace $0x80000047;
	s9 =	ssub.s32 s9, s11;
	s0 =	sadd.s32 s0, s10  }
0x9: {  	s6 =	sshrl.u32 s6, $0x3;
	s4 =	sshrl.u32 s4, $0x3;
	s28 =	smax.u32 s9, $0x1  }
0xa: {  	s1 =	sadd.s32 s1, s6;
	s4 =	sadd.s32 s5, s4;
	[dreg:$0x15] =	wrdreg s28  }
0xb: {  	s0 =	sshll.u32 s0, $0x3;
	[dreg:$0xc] =	wrdreg s1;
	s13 =	sadd.s32 $0x30000, s4  }
0xc: {  	s0 =	sadd.s32 s0, s5;
	s15 =	sadd.s32 $0x30400, s4;
	[dreg:$0xd] =	wrdreg s13  }
0xd: {  	s29 =	simm.s32 $0x9;
	s14 =	sadd.s32 $0x1C00, s0;
	[dreg:$0xe] =	wrdreg s15  }
0xe: {  	s31 =	simm.s32 $0x14400;
	s17 =	sadd.s32 $0x30800, s4;
	[dreg:$0x5] =	wrdreg s14  }
0xf: {  	s30 =	simm.s32 $0x12400;
	s16 =	sadd.s32 $0x1800, s0;
	[dreg:$0xf] =	wrdreg s17  }
0x10: {  	s3 =	sadd.s32 $0xF42C00, s3;
	s19 =	sadd.s32 $0x30C00, s4;
	[dreg:$0x6] =	wrdreg s16  }
0x11: {  	s12 =	sadd.s32 s8, s7;
	s18 =	sadd.s32 $0x1400, s0;
	[dreg:$0x10] =	wrdreg s19  }
0x12: {  	s7 =	simm.s32 $0xD;
	s21 =	sadd.s32 $0x31000, s4;
	[dreg:$0x7] =	wrdreg s18  }
0x13: {  	s8 =	simm.s32 $0xE;
	s20 =	sadd.s32 $0x1000, s0;
	[dreg:$0x11] =	wrdreg s21  }
0x14: {  	s10 =	simm.s32 $0x10;
	s23 =	sadd.s32 $0x31400, s4;
	[dreg:$0x8] =	wrdreg s20  }
0x15: {  	s9 =	simm.s32 $0xF;
	s22 =	sadd.s32 $0xC00, s0;
	[dreg:$0x12] =	wrdreg s23  }
0x16: {  	s6 =	simm.s32 $0xC;
	s25 =	sadd.s32 $0x31800, s4;
	[dreg:$0x9] =	wrdreg s22  }
0x17: {  	s1 =	sshrl.u32 s12, $0x3;
	s24 =	sadd.s32 $0x800, s0;
	[dreg:$0x13] =	wrdreg s25  }
0x18: {  	s0 =	sadd.s32 $0x400, s0;
	s26 =	sadd.s32 $0x31C00, s4;
	[dreg:$0xa] =	wrdreg s24  }
0x19: {  	s4 =	simm.s32 $0xA;
	s12 =	simm.s32 $0x0;
	[dreg:$0x14] =	wrdreg s26  }
0x1a: {  	s1 =	sadd.s32 s1, s5;
	[dreg:$0xb] =	wrdreg s0;
	s15 =	simm.s32 $0x80  }
0x1b: {  	s0 =	simm.s32 $0x3;
	s18 =	simm.s32 $0x4;
	s20 =	simm.s32 $0x5  }
0x1c: {  	s22 =	simm.s32 $0x6;
	s24 =	simm.s32 $0x7;
	s26 =	simm.s32 $0x8  }
0x1d: {  	s5 =	simm.s32 $0xB;
	[dreg:$0x4] =	wrdreg s1;
	s1 =	simm.s32 $0x2  }
.LBB2_1:
0x1e: {  	[dreg:$0x16] =	wrdreg s12  }
0x1f: {  	s11 =	rddreg [dreg:$0xc];
	s14 =	simm.s32 $0x11  }
0x20: {  	[tilespmem:s2], [sflag:$0x11] =	stream.linear.gather [hbm4b:s11+s2], $0x6400, $0x38;
	[tilespmem:$0x16400] =	vst v63  }
0x21: {  	_ =	swait.ge [sflag:s14], $0x6400  }
0x22: {  	[sflag:s14] =	ssyncset.done $0x0  }
0x23: {  	s12 =	simm.s32 $0x6400;
	[sflag:s14] =	ssyncadd.s32 $0xFFFF9C00  }
0x24: {  	[tilespmem:s12], [sflag:$0x1] =	stream.indirect.gather [hbm4b:s3+s15], $0x40, s2, s15, $0xb8;
	[tilespmem:$0x16400] =	vst v63  }
0x25: {  	s13 =	simm.s32 $0x8400  }
0x26: {  	[tilespmem:s13], [sflag:$0x2] =	stream.indirect.gather [hbm4b:s3+s15], $0x40, s15, s15, $0xb8;
	[tilespmem:$0x16400] =	vst v63  }
0x27: {  	s16 =	simm.s32 $0x100;
	s14 =	simm.s32 $0xA400  }
0x28: {  	[tilespmem:s14], [sflag:$0x3] =	stream.indirect.gather [hbm4b:s3+s15], $0x40, s16, s15, $0xb8;
	[tilespmem:$0x16400] =	vst v63  }
0x29: {  	s17 =	simm.s32 $0x180;
	s16 =	simm.s32 $0xC400  }
0x2a: {  	[tilespmem:s16], [sflag:$0x4] =	stream.indirect.gather [hbm4b:s3+s15], $0x40, s17, s15, $0xb8;
	[tilespmem:$0x16400] =	vst v63  }
0x2b: {  	s19 =	simm.s32 $0x200;
	s17 =	simm.s32 $0xE400  }
0x2c: {  	[tilespmem:s17], [sflag:$0x5] =	stream.indirect.gather [hbm4b:s3+s15], $0x40, s19, s15, $0xb8;
	[tilespmem:$0x16400] =	vst v63  }
0x2d: {  	s21 =	simm.s32 $0x280;
	s19 =	simm.s32 $0x10400  }
0x2e: {  	[tilespmem:s19], [sflag:$0x6] =	stream.indirect.gather [hbm4b:s3+s15], $0x40, s21, s15, $0xb8;
	[tilespmem:$0x16400] =	vst v63  }
0x2f: {  	s23 =	simm.s32 $0x300;
	s21 =	simm.s32 $0x12400  }
0x30: {  	[tilespmem:s21], [sflag:$0x7] =	stream.indirect.gather [hbm4b:s3+s15], $0x40, s23, s15, $0xb8;
	[tilespmem:$0x16400] =	vst v63  }
0x31: {  	s25 =	simm.s32 $0x380;
	s23 =	simm.s32 $0x14400  }
0x32: {  	[tilespmem:s23], [sflag:$0x8] =	stream.indirect.gather [hbm4b:s3+s15], $0x40, s25, s15, $0xb8;
	[tilespmem:$0x16400] =	vst v63  }
0x33: {  	s25 =	simm.s32 $0x1  }
0x34: {  	_ =	swait.ge [sflag:s25], $0x2000  }
0x35: {  	s28 =	rddreg [dreg:$0x4];
	[sflag:s25] =	ssyncset.done $0x0  }
0x36: {  	[sflag:s25] =	ssyncadd.s32 $0xFFFFE000;
	s11 =	sadd.s32 $0x0, s28  }
0x37: {  	[hbm4b:s11+s2] =	stream.linear.scatter [tilespmem:s12], [sflag:$0x9], $0x2000, $0x38;
	[tilespmem:$0x16400] =	vst v63  }
0x38: {  	_ =	swait.ge [sflag:s1], $0x2000  }
0x39: {  	s25 =	rddreg [dreg:$0xb];
	[sflag:s1] =	ssyncset.done $0x0  }
0x3a: {  	[sflag:s1] =	ssyncadd.s32 $0xFFFFE000;
	s11 =	sadd.s32 $0x0, s25  }
0x3b: {  	[hbm4b:s11+s2] =	stream.linear.scatter [tilespmem:s13], [sflag:$0xA], $0x2000, $0x38;
	[tilespmem:$0x16400] =	vst v63  }
0x3c: {  	_ =	swait.ge [sflag:s0], $0x2000  }
0x3d: {  	s28 =	rddreg [dreg:$0xa];
	[sflag:s0] =	ssyncset.done $0x0  }
0x3e: {  	[sflag:s0] =	ssyncadd.s32 $0xFFFFE000;
	s11 =	sadd.s32 $0x0, s28  }
0x3f: {  	[hbm4b:s11+s2] =	stream.linear.scatter [tilespmem:s14], [sflag:$0xB], $0x2000, $0x38;
	[tilespmem:$0x16400] =	vst v63  }
0x40: {  	_ =	swait.ge [sflag:s18], $0x2000  }
0x41: {  	s25 =	rddreg [dreg:$0x9];
	[sflag:s18] =	ssyncset.done $0x0  }
0x42: {  	[sflag:s18] =	ssyncadd.s32 $0xFFFFE000;
	s11 =	sadd.s32 $0x0, s25  }
0x43: {  	[hbm4b:s11+s2] =	stream.linear.scatter [tilespmem:s16], [sflag:$0xC], $0x2000, $0x38;
	[tilespmem:$0x16400] =	vst v63  }
0x44: {  	_ =	swait.ge [sflag:s20], $0x2000  }
0x45: {  	s28 =	rddreg [dreg:$0x8];
	[sflag:s20] =	ssyncset.done $0x0  }
0x46: {  	[sflag:s20] =	ssyncadd.s32 $0xFFFFE000;
	s11 =	sadd.s32 $0x0, s28  }
0x47: {  	[hbm4b:s11+s2] =	stream.linear.scatter [tilespmem:s17], [sflag:$0xD], $0x2000, $0x38;
	[tilespmem:$0x16400] =	vst v63  }
0x48: {  	_ =	swait.ge [sflag:s22], $0x2000  }
0x49: {  	s25 =	rddreg [dreg:$0x7];
	[sflag:s22] =	ssyncset.done $0x0  }
0x4a: {  	[sflag:s22] =	ssyncadd.s32 $0xFFFFE000;
	s11 =	sadd.s32 $0x0, s25  }
0x4b: {  	[hbm4b:s11+s2] =	stream.linear.scatter [tilespmem:s19], [sflag:$0xE], $0x2000, $0x38;
	[tilespmem:$0x16400] =	vst v63  }
0x4c: {  	_ =	swait.ge [sflag:s24], $0x2000  }
0x4d: {  	s28 =	rddreg [dreg:$0x6];
	[sflag:s24] =	ssyncset.done $0x0  }
0x4e: {  	[sflag:s24] =	ssyncadd.s32 $0xFFFFE000;
	s11 =	sadd.s32 $0x0, s28  }
0x4f: {  	[hbm4b:s11+s2] =	stream.linear.scatter [tilespmem:s21], [sflag:$0xF], $0x2000, $0x38;
	[tilespmem:$0x16400] =	vst v63  }
0x50: {  	_ =	swait.ge [sflag:s26], $0x2000  }
0x51: {  	s25 =	rddreg [dreg:$0x5];
	[sflag:s26] =	ssyncset.done $0x0  }
0x52: {  	[sflag:s26] =	ssyncadd.s32 $0xFFFFE000;
	s11 =	sadd.s32 $0x0, s25  }
0x53: {  	[hbm4b:s11+s2] =	stream.linear.scatter [tilespmem:s23], [sflag:$0x10], $0x2000, $0x38;
	[tilespmem:$0x16400] =	vst v63  }
0x54: {  	_ =	swait.ge [sflag:s29], $0x2000  }
0x55: {  	[sflag:s29] =	ssyncset.done $0x0  }
0x56: {  	s28 =	simm.s32 $0x400;
	[sflag:s29] =	ssyncadd.s32 $0xFFFFE000  }
0x57: {  	[tilespmem:s12], [sflag:$0x1] =	stream.indirect.gather [hbm4b:s3+s15], $0x40, s28, s15, $0xb8;
	[tilespmem:$0x16400] =	vst v63  }
0x58: {  	_ =	swait.ge [sflag:s4], $0x2000  }
0x59: {  	[sflag:s4] =	ssyncset.done $0x0  }
0x5a: {  	s12 =	simm.s32 $0x480;
	[sflag:s4] =	ssyncadd.s32 $0xFFFFE000  }
0x5b: {  	[tilespmem:s13], [sflag:$0x2] =	stream.indirect.gather [hbm4b:s3+s15], $0x40, s12, s15, $0xb8;
	[tilespmem:$0x16400] =	vst v63  }
0x5c: {  	_ =	swait.ge [sflag:s5], $0x2000  }
0x5d: {  	[sflag:s5] =	ssyncset.done $0x0  }
0x5e: {  	s13 =	simm.s32 $0x500;
	[sflag:s5] =	ssyncadd.s32 $0xFFFFE000  }
0x5f: {  	[tilespmem:s14], [sflag:$0x3] =	stream.indirect.gather [hbm4b:s3+s15], $0x40, s13, s15, $0xb8;
	[tilespmem:$0x16400] =	vst v63  }
0x60: {  	_ =	swait.ge [sflag:s6], $0x2000  }
0x61: {  	[sflag:s6] =	ssyncset.done $0x0  }
0x62: {  	s14 =	simm.s32 $0x580;
	[sflag:s6] =	ssyncadd.s32 $0xFFFFE000  }
0x63: {  	[tilespmem:s16], [sflag:$0x4] =	stream.indirect.gather [hbm4b:s3+s15], $0x40, s14, s15, $0xb8;
	[tilespmem:$0x16400] =	vst v63  }
0x64: {  	_ =	swait.ge [sflag:s7], $0x2000  }
0x65: {  	[sflag:s7] =	ssyncset.done $0x0  }
0x66: {  	s23 =	simm.s32 $0x600;
	[sflag:s7] =	ssyncadd.s32 $0xFFFFE000  }
0x67: {  	[tilespmem:s17], [sflag:$0x5] =	stream.indirect.gather [hbm4b:s3+s15], $0x40, s23, s15, $0xb8;
	[tilespmem:$0x16400] =	vst v63  }
0x68: {  	_ =	swait.ge [sflag:s8], $0x2000  }
0x69: {  	[sflag:s8] =	ssyncset.done $0x0  }
0x6a: {  	s25 =	simm.s32 $0x680;
	[sflag:s8] =	ssyncadd.s32 $0xFFFFE000  }
0x6b: {  	[tilespmem:s19], [sflag:$0x6] =	stream.indirect.gather [hbm4b:s3+s15], $0x40, s25, s15, $0xb8;
	[tilespmem:$0x16400] =	vst v63  }
0x6c: {  	_ =	swait.ge [sflag:s9], $0x2000  }
0x6d: {  	[sflag:s9] =	ssyncset.done $0x0  }
0x6e: {  	s28 =	simm.s32 $0x700;
	[sflag:s9] =	ssyncadd.s32 $0xFFFFE000  }
0x6f: {  	[tilespmem:s21], [sflag:$0x7] =	stream.indirect.gather [hbm4b:s3+s15], $0x40, s28, s15, $0xb8;
	[tilespmem:$0x16400] =	vst v63  }
0x70: {  	_ =	swait.ge [sflag:s10], $0x2000  }
0x71: {  	s12 =	simm.s32 $0x780;
	[sflag:s10] =	ssyncset.done $0x0  }
0x72: {  	s13 =	simm.s32 $0x2000;
	s14 =	simm.s32 $0xB80;
	[sflag:s10] =	ssyncadd.s32 $0xFFFFE000  }
.LBB2_2:
0x73: {  	[tilespmem:s31], [sflag:$0x8] =	stream.indirect.gather [hbm4b:s3+s15], $0x40, s12, s15, $0xb8;
	[tilespmem:$0x16400] =	vst v63  }
0x74: {  	s17 =	simm.s32 $0x1  }
0x75: {  	_ =	swait.ge [sflag:s17], $0x2000  }
0x76: {  	s11 =	smov.u32 s13;
	s16 =	rddreg [dreg:$0x4];
	[sflag:s17] =	ssyncset.done $0x0  }
0x77: {  	[sflag:s17] =	ssyncadd.s32 $0xFFFFE000;
	s16 =	sadd.s32 s11, s16;
	s17 =	simm.s32 $0x6400  }
0x78: {  	[hbm4b:s16+s2] =	stream.linear.scatter [tilespmem:s17], [sflag:$0x9], $0x2000, $0x38;
	[tilespmem:$0x16400] =	vst v63  }
0x79: {  	_ =	swait.ge [sflag:s1], $0x2000  }
0x7a: {  	s19 =	rddreg [dreg:$0xb];
	[sflag:s1] =	ssyncset.done $0x0  }
0x7b: {  	[sflag:s1] =	ssyncadd.s32 $0xFFFFE000;
	s16 =	sadd.s32 s11, s19;
	s19 =	simm.s32 $0x8400  }
0x7c: {  	[hbm4b:s16+s2] =	stream.linear.scatter [tilespmem:s19], [sflag:$0xA], $0x2000, $0x38;
	[tilespmem:$0x16400] =	vst v63  }
0x7d: {  	_ =	swait.ge [sflag:s0], $0x2000  }
0x7e: {  	s21 =	rddreg [dreg:$0xa];
	[sflag:s0] =	ssyncset.done $0x0  }
0x7f: {  	[sflag:s0] =	ssyncadd.s32 $0xFFFFE000;
	s16 =	sadd.s32 s11, s21;
	s21 =	simm.s32 $0xA400  }
0x80: {  	[hbm4b:s16+s2] =	stream.linear.scatter [tilespmem:s21], [sflag:$0xB], $0x2000, $0x38;
	[tilespmem:$0x16400] =	vst v63  }
0x81: {  	_ =	swait.ge [sflag:s18], $0x2000  }
0x82: {  	s23 =	rddreg [dreg:$0x9];
	[sflag:s18] =	ssyncset.done $0x0  }
0x83: {  	[sflag:s18] =	ssyncadd.s32 $0xFFFFE000;
	s16 =	sadd.s32 s11, s23;
	s23 =	simm.s32 $0xC400  }
0x84: {  	[hbm4b:s16+s2] =	stream.linear.scatter [tilespmem:s23], [sflag:$0xC], $0x2000, $0x38;
	[tilespmem:$0x16400] =	vst v63  }
0x85: {  	_ =	swait.ge [sflag:s20], $0x2000  }
0x86: {  	s25 =	rddreg [dreg:$0x8];
	[sflag:s20] =	ssyncset.done $0x0  }
0x87: {  	[sflag:s20] =	ssyncadd.s32 $0xFFFFE000;
	s16 =	sadd.s32 s11, s25;
	s25 =	simm.s32 $0xE400  }
0x88: {  	[hbm4b:s16+s2] =	stream.linear.scatter [tilespmem:s25], [sflag:$0xD], $0x2000, $0x38;
	[tilespmem:$0x16400] =	vst v63  }
0x89: {  	_ =	swait.ge [sflag:s22], $0x2000  }
0x8a: {  	s16 =	rddreg [dreg:$0x7];
	[sflag:s22] =	ssyncset.done $0x0  }
0x8b: {  	s28 =	simm.s32 $0x10400;
	[sflag:s22] =	ssyncadd.s32 $0xFFFFE000;
	s16 =	sadd.s32 s11, s16  }
0x8c: {  	[hbm4b:s16+s2] =	stream.linear.scatter [tilespmem:s28], [sflag:$0xE], $0x2000, $0x38;
	[tilespmem:$0x16400] =	vst v63  }
0x8d: {  	_ =	swait.ge [sflag:s24], $0x2000  }
0x8e: {  	s16 =	rddreg [dreg:$0x6];
	[sflag:s24] =	ssyncset.done $0x0  }
0x8f: {  	[sflag:s24] =	ssyncadd.s32 $0xFFFFE000;
	s16 =	sadd.s32 s11, s16  }
0x90: {  	[hbm4b:s16+s2] =	stream.linear.scatter [tilespmem:s30], [sflag:$0xF], $0x2000, $0x38;
	[tilespmem:$0x16400] =	vst v63  }
0x91: {  	_ =	swait.ge [sflag:s26], $0x2000  }
0x92: {  	s16 =	rddreg [dreg:$0x5];
	[sflag:s26] =	ssyncset.done $0x0  }
0x93: {  	[sflag:s26] =	ssyncadd.s32 $0xFFFFE000;
	s11 =	sadd.s32 s11, s16  }
0x94: {  	[hbm4b:s11+s2] =	stream.linear.scatter [tilespmem:s31], [sflag:$0x10], $0x2000, $0x38;
	[tilespmem:$0x16400] =	vst v63  }
0x95: {  	_ =	swait.ge [sflag:s29], $0x2000  }
0x96: {  	[sflag:s29] =	ssyncset.done $0x0  }
0x97: {  	s11 =	sadd.s32 $0xFFFFFC80, s14;
	[sflag:s29] =	ssyncadd.s32 $0xFFFFE000  }
0x98: {  	[tilespmem:s17], [sflag:$0x1] =	stream.indirect.gather [hbm4b:s3+s15], $0x40, s11, s15, $0xb8;
	[tilespmem:$0x16400] =	vst v63  }
0x99: {  	_ =	swait.ge [sflag:s4], $0x2000  }
0x9a: {  	[sflag:s4] =	ssyncset.done $0x0  }
0x9b: {  	s11 =	sadd.s32 $0xFFFFFD00, s14;
	[sflag:s4] =	ssyncadd.s32 $0xFFFFE000  }
0x9c: {  	[tilespmem:s19], [sflag:$0x2] =	stream.indirect.gather [hbm4b:s3+s15], $0x40, s11, s15, $0xb8;
	[tilespmem:$0x16400] =	vst v63  }
0x9d: {  	_ =	swait.ge [sflag:s5], $0x2000  }
0x9e: {  	[sflag:s5] =	ssyncset.done $0x0  }
0x9f: {  	s11 =	sadd.s32 $0xFFFFFD80, s14;
	[sflag:s5] =	ssyncadd.s32 $0xFFFFE000  }
0xa0: {  	[tilespmem:s21], [sflag:$0x3] =	stream.indirect.gather [hbm4b:s3+s15], $0x40, s11, s15, $0xb8;
	[tilespmem:$0x16400] =	vst v63  }
0xa1: {  	_ =	swait.ge [sflag:s6], $0x2000  }
0xa2: {  	[sflag:s6] =	ssyncset.done $0x0  }
0xa3: {  	s11 =	sadd.s32 $0xFFFFFE00, s14;
	[sflag:s6] =	ssyncadd.s32 $0xFFFFE000  }
0xa4: {  	[tilespmem:s23], [sflag:$0x4] =	stream.indirect.gather [hbm4b:s3+s15], $0x40, s11, s15, $0xb8;
	[tilespmem:$0x16400] =	vst v63  }
0xa5: {  	_ =	swait.ge [sflag:s7], $0x2000  }
0xa6: {  	[sflag:s7] =	ssyncset.done $0x0  }
0xa7: {  	s11 =	sadd.s32 $0xFFFFFE80, s14;
	[sflag:s7] =	ssyncadd.s32 $0xFFFFE000  }
0xa8: {  	[tilespmem:s25], [sflag:$0x5] =	stream.indirect.gather [hbm4b:s3+s15], $0x40, s11, s15, $0xb8;
	[tilespmem:$0x16400] =	vst v63  }
0xa9: {  	_ =	swait.ge [sflag:s8], $0x2000  }
0xaa: {  	[sflag:s8] =	ssyncset.done $0x0  }
0xab: {  	s12 =	smov.u32 s14;
	s11 =	sadd.s32 $0xFFFFFF00, s14;
	[sflag:s8] =	ssyncadd.s32 $0xFFFFE000  }
0xac: {  	[tilespmem:s28], [sflag:$0x6] =	stream.indirect.gather [hbm4b:s3+s15], $0x40, s11, s15, $0xb8;
	[tilespmem:$0x16400] =	vst v63  }
0xad: {  	p0 =	sne.s32 s13, $0x2E000;
	s13 =	sadd.s32 $0x2000, s13;
	_ =	swait.ge [sflag:s9], $0x2000  }
0xae: {  	s16 =	simm.s32 $0x6400;
	s17 =	simm.s32 $0x8400;
	[sflag:s9] =	ssyncset.done $0x0  }
.Ltmp0:
0xaf: {  	s11 =	sadd.s32 $0xFFFFFF80, s14;
	[sflag:s9] =	ssyncadd.s32 $0xFFFFE000;
	(pc) =	sbr.rel @p0 .LBB2_2-.Ltmp0, $4  }
0xb0: {  	[tilespmem:s30], [sflag:$0x7] =	stream.indirect.gather [hbm4b:s3+s15], $0x40, s11, s15, $0xb8;
	[tilespmem:$0x16400] =	vst v63  }
0xb1: {  	s19 =	simm.s32 $0xA400;
	s21 =	simm.s32 $0xC400;
	_ =	swait.ge [sflag:s10], $0x2000  }
0xb2: {  	s23 =	simm.s32 $0xE400;
	s25 =	simm.s32 $0x10400;
	[sflag:s10] =	ssyncset.done $0x0  }
0xb3: {  	s28 =	simm.s32 $0x12400;
	s14 =	sadd.s32 $0x400, s14;
	[sflag:s10] =	ssyncadd.s32 $0xFFFFE000  }
0xb4: {  	s13 =	simm.s32 $0x14400;
	s11 =	simm.s32 $0x1  }
0xb5: {  	[tilespmem:s13], [sflag:$0x8] =	stream.indirect.gather [hbm4b:s3+s15], $0x40, s12, s15, $0xb8;
	[tilespmem:$0x16400] =	vst v63  }
0xb6: {  	_ =	swait.ge [sflag:s11], $0x2000  }
0xb7: {  	[sflag:s11] =	ssyncset.done $0x0  }
0xb8: {  	s14 =	rddreg [dreg:$0xd];
	[sflag:s11] =	ssyncadd.s32 $0xFFFFE000  }
0xb9: {  	[hbm4b:s14+s2] =	stream.linear.scatter [tilespmem:s16], [sflag:$0x9], $0x2000, $0x38;
	[tilespmem:$0x16400] =	vst v63  }
0xba: {  	_ =	swait.ge [sflag:s1], $0x2000  }
0xbb: {  	[sflag:s1] =	ssyncset.done $0x0  }
0xbc: {  	s12 =	rddreg [dreg:$0xe];
	[sflag:s1] =	ssyncadd.s32 $0xFFFFE000  }
0xbd: {  	[hbm4b:s12+s2] =	stream.linear.scatter [tilespmem:s17], [sflag:$0xA], $0x2000, $0x38;
	[tilespmem:$0x16400] =	vst v63  }
0xbe: {  	_ =	swait.ge [sflag:s0], $0x2000  }
0xbf: {  	[sflag:s0] =	ssyncset.done $0x0  }
0xc0: {  	s14 =	rddreg [dreg:$0xf];
	[sflag:s0] =	ssyncadd.s32 $0xFFFFE000  }
0xc1: {  	[hbm4b:s14+s2] =	stream.linear.scatter [tilespmem:s19], [sflag:$0xB], $0x2000, $0x38;
	[tilespmem:$0x16400] =	vst v63  }
0xc2: {  	_ =	swait.ge [sflag:s18], $0x2000  }
0xc3: {  	[sflag:s18] =	ssyncset.done $0x0  }
0xc4: {  	s16 =	rddreg [dreg:$0x10];
	[sflag:s18] =	ssyncadd.s32 $0xFFFFE000  }
0xc5: {  	[hbm4b:s16+s2] =	stream.linear.scatter [tilespmem:s21], [sflag:$0xC], $0x2000, $0x38;
	[tilespmem:$0x16400] =	vst v63  }
0xc6: {  	_ =	swait.ge [sflag:s20], $0x2000  }
0xc7: {  	[sflag:s20] =	ssyncset.done $0x0  }
0xc8: {  	s17 =	rddreg [dreg:$0x11];
	[sflag:s20] =	ssyncadd.s32 $0xFFFFE000  }
0xc9: {  	[hbm4b:s17+s2] =	stream.linear.scatter [tilespmem:s23], [sflag:$0xD], $0x2000, $0x38;
	[tilespmem:$0x16400] =	vst v63  }
0xca: {  	_ =	swait.ge [sflag:s22], $0x2000  }
0xcb: {  	[sflag:s22] =	ssyncset.done $0x0  }
0xcc: {  	s19 =	rddreg [dreg:$0x12];
	[sflag:s22] =	ssyncadd.s32 $0xFFFFE000  }
0xcd: {  	[hbm4b:s19+s2] =	stream.linear.scatter [tilespmem:s25], [sflag:$0xE], $0x2000, $0x38;
	[tilespmem:$0x16400] =	vst v63  }
0xce: {  	_ =	swait.ge [sflag:s24], $0x2000  }
0xcf: {  	[sflag:s24] =	ssyncset.done $0x0  }
0xd0: {  	s21 =	rddreg [dreg:$0x13];
	[sflag:s24] =	ssyncadd.s32 $0xFFFFE000  }
0xd1: {  	[hbm4b:s21+s2] =	stream.linear.scatter [tilespmem:s28], [sflag:$0xF], $0x2000, $0x38;
	[tilespmem:$0x16400] =	vst v63  }
0xd2: {  	_ =	swait.ge [sflag:s26], $0x2000  }
0xd3: {  	[sflag:s26] =	ssyncset.done $0x0  }
0xd4: {  	s23 =	rddreg [dreg:$0x14];
	[sflag:s26] =	ssyncadd.s32 $0xFFFFE000  }
0xd5: {  	[hbm4b:s23+s2] =	stream.linear.scatter [tilespmem:s13], [sflag:$0x10], $0x2000, $0x38;
	[tilespmem:$0x16400] =	vst v63  }
0xd6: {  	_ =	swait.ge [sflag:s29], $0x2000  }
0xd7: {  	[sflag:s29] =	ssyncset.done $0x0  }
0xd8: {  	[sflag:s29] =	ssyncadd.s32 $0xFFFFE000  }
0xd9: {  	_ =	swait.ge [sflag:s4], $0x2000  }
0xda: {  	[sflag:s4] =	ssyncset.done $0x0  }
0xdb: {  	[sflag:s4] =	ssyncadd.s32 $0xFFFFE000  }
0xdc: {  	_ =	swait.ge [sflag:s5], $0x2000  }
0xdd: {  	[sflag:s5] =	ssyncset.done $0x0  }
0xde: {  	[sflag:s5] =	ssyncadd.s32 $0xFFFFE000  }
0xdf: {  	_ =	swait.ge [sflag:s6], $0x2000  }
0xe0: {  	[sflag:s6] =	ssyncset.done $0x0  }
0xe1: {  	[sflag:s6] =	ssyncadd.s32 $0xFFFFE000  }
0xe2: {  	_ =	swait.ge [sflag:s7], $0x2000  }
0xe3: {  	[sflag:s7] =	ssyncset.done $0x0  }
0xe4: {  	[sflag:s7] =	ssyncadd.s32 $0xFFFFE000  }
0xe5: {  	_ =	swait.ge [sflag:s8], $0x2000  }
0xe6: {  	[sflag:s8] =	ssyncset.done $0x0  }
0xe7: {  	[sflag:s8] =	ssyncadd.s32 $0xFFFFE000  }
0xe8: {  	_ =	swait.ge [sflag:s9], $0x2000  }
0xe9: {  	[sflag:s9] =	ssyncset.done $0x0  }
0xea: {  	[sflag:s9] =	ssyncadd.s32 $0xFFFFE000  }
0xeb: {  	_ =	swait.ge [sflag:s10], $0x2000  }
0xec: {  	s25 =	rddreg [dreg:$0x16]  }
0xed: {  	s28 =	rddreg [dreg:$0x15];
	s12 =	sadd.s32 $0x1, s25  }
0xee: {  	p0 =	sne.s32 s12, s28  }
.Ltmp1:
0xef: {  	_ = 	snop;
	(pc) =	sbr.rel @p0 .LBB2_1-.Ltmp1, $3  }
0xf0: {  	_ =	sdelay $0x1  }
0xf1: {  	[sflag:s10] =	ssyncset.done $0x0  }
0xf2: {  	[sflag:s10] =	ssyncadd.s32 $0xFFFFE000  }
0xf3: {  	_ =	sfence.sel $0x180000  }
0xf4: {  	[bflag:$0x0] =	sbarrier.arrive $0xFFFF  }
0xf5: {  	_ =	strace $0x90000047  }
0xf6: {  	s0 =	stileid.u32;
	[bflag:$0x2] =	sbarrier.arrive $0xFFFF  }
0xf7: {  	p0 =	sne.s32 s0, $0x0;
	s0 =	rddreg [dreg:$0x3]  }
0xf8: {  	s0 =	sadd.s32 @!p0 $0x100000, s0  }
0xf9: {  	[sflag:s0] =	ssyncadd.tile.s32 @!p0 $0x1;
	_ =	shalt  }
.Lfunc_end2:
_tile_overlayer_lowered:
.L_overlay_start_2:
0xfa: {  	(tag) =	ssettag $0x2  }
0xfb: {  	s0 =	rddreg [dreg:$0x0];
	s2 =	stileid.u32  }
0xfc: {  	s1 =	rddreg [dreg:$0x1];
	p0 =	sne.s32 s2, $0x0  }
0xfd: {  	s3 =	rddreg [dreg:$0x2];
	[bflag:$0x3] =	sbarrier.arrive $0xFFFF;
	s2 =	simm.s32 @!p0 $0x1C11  }
0xfe: {  	[timem:s3], [sflag:s2] =	dma.local @!p0 [hbm:s0], s1  }
0xff: {  	s0 =	simm.s32 @!p0 $0x11  }
0x100: {  	_ =	swait.ge @!p0 [sflag:s0], s1  }
0x101: {  	s1 =	ssub.s32 @!p0 $0x0, s1;
	[sflag:s0] =	ssyncset.done @!p0 $0x0  }
0x102: {  	[sflag:s0] =	ssyncadd.s32 @!p0 s1  }
0x103: {  	[bflag:$0x3] =	sbarrier.arrive $0xFFFF  }
0x104: {  	_ =	shalt  }

// kernel: sparse-core-data-format-call.cloned.1.call-start
scs
called_computation_lowered:
.L_overlay_start_0:
0x0: {  	s2 =	sld [smem:$0x3FD9]  }
0x1: {  	s3 =	sld [smem:$0x3FFE];
	_ =	sdelay $0x1  }
0x2: {  	s1 =	srdreg.scid  }
0x3: {  	s0 =	sand.u32 $0x1, s1  }
0x4: {  	s18 =	sshll.u32 s0, $0xA;
	s2 =	sadd.s32 s3, s2  }
0x5: {  	s2 =	sadd.s32 s2, s18  }
0x6: {  	[smem:$0x3FC6] =	sst s2  }
0x7: {  	_ = 	snop  }
0x8: {  	s2 =	sld [smem:$0x3FD0];
	(tm) =	ssettm $0x1  }
0x9: {  	s19 =	sld [smem:$0x3FFB];
	_ =	sdelay $0x3  }
0xa: {  	_ =	strace s19  }
0xb: {  	s3 =	sld [smem:$0x3FFC];
	_ =	sdelay $0x3  }
0xc: {  	_ =	strace s3  }
0xd: {  	s3 =	sld [smem:$0x3FFD];
	_ =	sdelay $0x3  }
0xe: {  	_ =	strace s3  }
0xf: {  	_ =	strace $0x8FFFFFFF  }
0x10: {  	s20 =	sld [smem:$0x3FDB];
	_ =	sdelay $0x1  }
0x11: {  	s4 =	simm.s32 $_scs_section_size  }
0x12: {  	s5 =	simm.s32 $_size__tile_overlayer_lowered;
	s6 =	simm.s32 $_tile_overlayer_lowered  }
0x13: {  	s23 =	simm.s32 $0x1BFF;
	s22 =	sshll.u32 s6, $0x1;
	s3 =	sadd.s32 s4, s20  }
0x14: {  	s7 =	simm.s32 $0x0;
	s21 =	sshll.u32 s5, $0x1;
	s5 =	sadd.s32 s22, s3  }
0x15: {  	[timem:s7], [sflag:s23] =	dma.local [hbm:s5], s21  }
0x16: {  	_ =	swait.ge [sflag:s23], s21  }
0x17: {  	s4 =	ssub.s32 $0x0, s21;
	[sflag:s23] =	ssyncset.done $0x0  }
0x18: {  	[sflag:s23] =	ssyncadd.s32 s4;
	_ =	sdelay $0x1  }
0x19: {  	s24 =	simm.s32 $0x1B8B  }
0x1a: {  	_ =	swait.ge [sflag:s24], $0x1  }
0x1b: {  	[sflag:s24] =	ssyncset.done $0x0  }
0x1c: {  	s26 =	simm.s32 $0x1B8E;
	s25 =	sld [smem:$0x3FFE];
	[sflag:s24] =	ssyncadd.s32 $0xFFFFFFFF  }
0x1d: {  	s27 =	simm.s32 $execute0_lowered;
	[smem:$0x3FD2] =	sst s26  }
0x1e: {  	s5 =	sshll.u32 s27, $0x1;
	_ =	strace $0x80000049;
	[dreg:$0x1] =	wrdreg $0xFFFFFFFF  }
0x1f: {  	s28 =	simm.s32 $_size_execute0_lowered;
	s3 =	sadd.s32 s3, s5;
	[dreg:$0x0] =	wrdreg $0x0  }
0x20: {  	s5 =	sshll.u32 s28, $0x1;
	[dreg:$0x2] =	wrdreg s3  }
0x21: {  	[dreg:$0x3] =	wrdreg s5  }
0x22: {  	[dreg:$0x4] =	wrdreg $0xC0  }
0x23: {  	_ =	task [dreg:s7], $0x5FFFF  }
0x24: {  	[dreg:$0x1] =	wrdreg $0xFFFFFFFF  }
0x25: {  	[dreg:$0x0] =	wrdreg $0x60  }
0x26: {  	[dreg:$0x2] =	wrdreg s25  }
0x27: {  	[dreg:$0x3] =	wrdreg s2  }
0x28: {  	[dreg:$0x4] =	wrdreg $0x9  }
0x29: {  	_ =	task.clear_ibuf [dreg:s7], $0x5FFFF;
	_ =	strace $0x90000049  }
0x2a: {  	s29 =	simm.s32 $0x9;
	_ =	strace $0x8000004B  }
0x2b: {  	_ =	swait.ge [sflag:s29], $0x1  }
0x2c: {  	[sflag:s29] =	ssyncadd.s32 $0xFFFFFFFF  }
0x2d: {  	_ =	strace $0x9000004B  }
0x2e: {  	_ =	sfence  }
0x2f: {  	s30 =	sld [smem:$0x0];
	_ =	sdelay $0x2  }
0x30: {  	s31 =	sshll.u32 s1, $0xD;
	s1 =	sshrl.u32 s1, $0x2  }
0x31: {  	s3 =	sand.u32 $0x4000, s31;
	s1 =	sadd.s32 s1, s30  }
0x32: {  	s0 =	sor.u32 s3, s0;
	s1 =	sshll.u32 s1, $0x11  }
0x33: {  	s0 =	sor.u32 s1, s0  }
0x34: {  	s0 =	sadd.s32 $0x8F2B, s0  }
0x35: {  	[sflag:s0] =	ssyncadd.remote.s32 $0x1  }
0x36: {  	_ =	sfence.sel $0xFFFF  }
0x37: {  	[dreg:$0x0] =	wrdreg $0xFFFFFFFF;
	(pc) =	sbr.abs _section_cstart, $3  }
0x38: {  	[dreg:$0x1] =	wrdreg $0xFFFFFFFF  }
0x39: {  	_ =	task.clear_ibuf [dreg:s7], $0x2FFFF;
	_ =	strace $0x9FFFFFFF  }
0x3a: {  	(tm) =	ssettm $0x7FFFFFFF  }
0x3b: {  	_ =	shalt  }
tec
execute0_lowered:
.L_overlay_start_1:
0x0: {  	(tag) =	ssettag $0x1  }
0x1: {  	s0 =	srdreg.scid  }
0x2: {  	s1 =	sshll.u32 s0, $0x4  }
0x3: {  	s4 =	rddreg [dreg:$0x0];
	s0 =	stileid.u32;
	s1 =	sand.u32 $0x10, s1  }
0x4: {  	s2 =	rddreg [dreg:$0x1];
	s7 =	simm.s32 $0x1;
	s1 =	sor.u32 s0, s1  }
0x5: {  	s8 =	simm.s32 $0x2;
	s11 =	simm.s32 $0x0;
	s3 =	sshll.u32 s1, $0x7  }
0x6: {  	s10 =	simm.s32 $0x0;
	s4 =	sadd.s32 $0x800, s4;
	s6 =	ssub.s32 $0xC8000, s3  }
.Ltmp0:
0x7: {  	s1 =	rddreg [dreg:$0x2];
	s5 =	sand.u32 $0xF80, s6;
	(pc) =	sbr.rel .LBB1_1-.Ltmp0, $4  }
0x8: {  	_ =	strace $0x8000004A;
	s9 =	smov.u32 s3;
	p0 =	sne.s32 s5, $0x0  }
0x9: {  	s6 =	sshrl.u32 s6, $0xC;
	s5 =	simm.s32 $0x1;
	s7 =	simm.s32 @!p0 $0x0  }
0xa: {  	[sflag:s5] =	ssyncpa.u1 $0x0;
	p0 =	por $0x0, $0x0;
	s6 =	sadd.s32 s7, s6  }
0xb: {  	[sflag:s8] =	ssyncpa.u1 $0x0;
	s8 =	simm.s32 $0x640000;
	s7 =	sadd.s32 $0x1, s6  }
.LBB1_4:
0xc: {  	s14 =	sshll.u32 s11, $0x3  }
0xd: {  	s30 =	sand.u32 $0x7F, s11;
	s15 =	sand.u32 $0xFFFFFC00, s14  }
0xe: {  	s11 =	sor.u32 s30, s15  }
0xf: {  	s15 =	smulhi.u32 $0x51EB851F, s11  }
0x10: {  	s14 =	smulhi.u32 $0x51EB851F, s14  }
0x11: {  	s15 =	sshrl.u32 s15, $0x12  }
0x12: {  	s14 =	sshrl.u32 s14, $0x12;
	s15 =	smul.u32 $0xC8000, s15  }
0x13: {  	s14 =	sand.u32 $0x3F, s14  }
0x14: {  	s14 =	smul.u32 $0x19000, s14;
	s11 =	ssub.s32 s11, s15  }
0x15: {  	[tilespmem:s13+$0x810 ss:$0x81] =	vst.msk $0xffff, v2;
	s15 =	sand.u32 $0x7, s11  }
0x16: {  	[tilespmem:s13+$0x1020 ss:$0x81] =	vst.msk $0xffff, v0;
	s14 =	sadd.s32 s2, s14;
	s11 =	sshrl.u32 s11, $0x3;
	s15 =	sshll.u32 s15, $0x12  }
0x17: {  	[tilespmem:s13+$0x0 ss:$0x81] =	vst.msk $0xffff, v1;
	s11 =	sadd.s32 s11, s14;
	s31 =	sor.u32 $0x400, s15  }
0x18: {  	[hbm4b:s11+s31] =	stream.strided.scatter [tilespmem:s12], [sflag:$0x2], $0x2000, s8, s31, $0x20;
	[tilespmem:$0x8080] =	vst v63  }
.LBB1_5:
0x19: {  	s13 =	sadd.s32 $0x1000, s9  }
0x1a: {  	p2 =	sgt.s32 s13, $0xC7FFF  }
0x1b: {  	s13 =	smov.u32 @p2 s3;
	p2 =	sne.s32 s10, s7  }
.Ltmp1:
0x1c: {  	p1 =	slt.u32 s10, $0x2;
	(pc) =	sbr.rel @!p2 .LBB1_6-.Ltmp1, $4  }
0x1d: {  	s12 =	simm.s32 @!p1 $0x2  }
0x1e: {  	s14 =	sadd.s32 $0x1, s10;
	_ =	swait.ge @!p1 [sflag:s12], $0x2000  }
0x1f: {  	s11 =	smov.u32 s9;
	p0 =	por !p0, !p0;
	[sflag:s12] =	ssyncset.done @!p1 $0x0  }
0x20: {  	s10 =	smov.u32 s14;
	s9 =	smov.u32 s13;
	[sflag:s12] =	ssyncadd.s32 @!p1 $0xFFFFE000  }
.LBB1_1:
0x21: {  	p1 =	sge.u32 s10, s6  }
0x22: {  	s12 =	sand.u32 @!p1 $0x1FFFFFF, s9  }
0x23: {  	s13 =	smulhi.u32 @!p1 $0x147AE15, s12;
	_ =	sdelay $0x1  }
0x24: {  	s13 =	sshrl.u32 @!p1 s13, $0xC  }
0x25: {  	s13 =	smul.u32 @!p1 $0xC8000, s13;
	_ =	sdelay $0x1  }
0x26: {  	s31 =	sadd.s32 $0xFFFFFFFF, s10;
	s14 =	sxor.u32 @!p1 $0xFFFFFFFF, s10;
	s12 =	ssub.s32 @!p1 s12, s13  }
0x27: {  	s15 =	simm.s32 @!p1 $0x80;
	s14 =	sshll.u32 @!p1 s14, $0xD;
	s12 =	sshll.u32 @!p1 s12, $0x4  }
0x28: {  	s13 =	sand.u32 @!p1 $0x2000, s14;
	s14 =	simm.s32 @!p1 $0x40;
	s12 =	sadd.s32 @!p1 s4, s12  }
0x29: {  	[tilespmem:s13], [sflag:$0x1] =	stream.strided.gather @!p1 [hbm4b:s12+s14], $0x2000, s15, s14, $0x38;
	[tilespmem:$0x8080] =	vst v63  }
0x2a: {  	p1 =	sge.u32 s31, s6  }
.Ltmp2:
0x2b: {  	_ = 	snop;
	(pc) =	sbr.rel @p1 .LBB1_5-.Ltmp2, $1  }
0x2c: {  	_ =	sdelay $0x3  }
0x2d: {  	s12 =	simm.s32 $0x1  }
0x2e: {  	_ =	swait.ge [sflag:s5], $0x2000;
	s12 =	simm.s32 @!p0 $0x0  }
0x2f: {  	[sflag:s5] =	ssyncset.done $0x0;
	s13 =	sshll.u32 s12, $0xD  }
0x30: {  	[sflag:s5] =	ssyncadd.s32 $0xFFFFE000;
	s16 =	sor.u32 $0x20, s13  }
0x31: {  	s12 =	smul.u32 $0x8100, s12;
	v3 =	vld [tilespmem:s16+$0x10]  }
0x32: {  	s30 =	sand.u32 $0x1, s10;
	v2 =	vld [tilespmem:s16+$0xFFFFFFF0]  }
0x33: {  	s13 =	smul.u32 $0x8100, s30;
	s12 =	sshrl.u32 s12, $0x2;
	v0 =	vld [tilespmem:s16+$0x0]  }
0x34: {  	v1 =	vld [tilespmem:s16+$0xFFFFFFE0];
	s14 =	sor.u32 $0x4000, s12  }
0x35: {  	s31 =	sshrl.u32 s13, $0x2;
	s13 =	sadd.s32 $0x0, s14  }
0x36: {  	s15 =	simm.s32 $0x4;
	s16 =	sadd.s32 $0x40, s16;
	s12 =	sor.u32 $0x4000, s31;
	[tilespmem:s13+$0x1830 ss:$0x81] =	vst.msk $0xffff, v3  }
.LBB1_3:
0x37: {  	v3 =	vld [tilespmem:s16+$0x10];
	p1 =	sne.s32 s15, $0x1FC;
	[tilespmem:s13+$0x810 ss:$0x81] =	vst.msk $0xffff, v2;
	s17 =	smov.u32 s15;
	s15 =	sadd.s32 $0x4, s15  }
.Ltmp3:
0x38: {  	v2 =	vld [tilespmem:s16+$0xFFFFFFF0];
	[tilespmem:s13+$0x1020 ss:$0x81] =	vst.msk $0xffff, v0;
	(pc) =	sbr.rel @p1 .LBB1_3-.Ltmp3, $4  }
0x39: {  	v0 =	vld [tilespmem:s16+$0x0];
	[tilespmem:s13+$0x0 ss:$0x81] =	vst.msk $0xffff, v1  }
0x3a: {  	s13 =	sshra.s32 s17, $0x2;
	v1 =	vld [tilespmem:s16+$0xFFFFFFE0]  }
0x3b: {  	s13 =	sadd.s32 s13, s14  }
0x3c: {  	s16 =	sadd.s32 $0x40, s16;
	[tilespmem:s13+$0x1830 ss:$0x81] =	vst.msk $0xffff, v3  }
.Ltmp4:
0x3d: {  	_ = 	snop;
	(pc) =	sbr.rel .LBB1_4-.Ltmp4, $1  }
0x3e: {  	_ =	sdelay $0x3  }
.LBB1_6:
0x3f: {  	_ =	sfence.sel $0x180000  }
0x40: {  	s2 =	simm.s32 $0x1;
	[bflag:$0x0] =	sbarrier.arrive $0xFFFF  }
0x41: {  	s31 =	simm.s32 $0x2;
	[sflag:s2] =	ssyncpa.u1 $0x1  }
0x42: {  	[sflag:s31] =	ssyncpa.u1 $0x1  }
0x43: {  	p0 =	sne.s32 s0, $0x0;
	_ =	strace $0x9000004A  }
0x44: {  	s0 =	sadd.s32 @!p0 $0x100000, s1;
	[bflag:$0x2] =	sbarrier.arrive $0xFFFF  }
0x45: {  	[sflag:s0] =	ssyncadd.tile.s32 @!p0 $0x1;
	_ =	shalt  }
.Lfunc_end1:
_tile_overlayer_lowered:
.L_overlay_start_2:
0x46: {  	(tag) =	ssettag $0x2  }
0x47: {  	s0 =	rddreg [dreg:$0x0];
	s2 =	stileid.u32  }
0x48: {  	s1 =	rddreg [dreg:$0x1];
	p0 =	sne.s32 s2, $0x0  }
0x49: {  	s3 =	rddreg [dreg:$0x2];
	[bflag:$0x3] =	sbarrier.arrive $0xFFFF;
	s2 =	simm.s32 @!p0 $0x1C01  }
0x4a: {  	[timem:s3], [sflag:s2] =	dma.local @!p0 [hbm:s0], s1  }
0x4b: {  	s0 =	simm.s32 @!p0 $0x1  }
0x4c: {  	_ =	swait.ge @!p0 [sflag:s0], s1  }
0x4d: {  	s1 =	ssub.s32 @!p0 $0x0, s1;
	[sflag:s0] =	ssyncset.done @!p0 $0x0  }
0x4e: {  	[sflag:s0] =	ssyncadd.s32 @!p0 s1  }
0x4f: {  	[bflag:$0x3] =	sbarrier.arrive $0xFFFF  }
0x50: {  	_ =	shalt  }

</sc_bundles>
